<compile_context>
chip_gen: v7x
topology: tpu7x:2x2x1
jax: 0.10.2.dev20260603
libtpu: 0.0.44.dev20260713+nightly
codegen_flags: <defaults>
</compile_context>

<pallas_src>
import functools

import jax
import jax.numpy as jnp
from jax import lax
from jax.experimental import pallas as pl
from jax.experimental.pallas import tpu as pltpu
from jax.experimental.pallas import tpu_sc as plsc

BATCH = 4096
SAMPLE_NUM = 20
WALK_LENGTH = 20
DIM = 32
PER_B = SAMPLE_NUM * WALK_LENGTH
SCALE = 1.0 / WALK_LENGTH

NUM_CORES = 2
NUM_SUBCORES = 16
NUM_WORKERS = NUM_CORES * NUM_SUBCORES
B_PER_W = BATCH // NUM_WORKERS

GATHER_CHUNKS = ((0, 128), (128, 128), (256, 128), (384, 16))
UNROLL = 8


def _walk_body(walk_hbm, table_hbm, out_hbm, idx_v, rows_v, out_v, sem0, sem1):
    cid = lax.axis_index("c")
    sid = lax.axis_index("s")
    wid = sid * NUM_CORES + cid
    base_b = wid * B_PER_W

    pltpu.sync_copy(walk_hbm.at[pl.ds(base_b, B_PER_W)], idx_v)

    sems = (sem0, sem1)

    def gather_descs(slot, b):
        descs = []
        for off, n in GATHER_CHUNKS:
            descs.append(pltpu.make_async_copy(
                table_hbm.at[idx_v.at[b, pl.ds(off, n)]],
                rows_v.at[slot, pl.ds(off, n)],
                sems[slot]))
        return descs

    def start_gathers(slot, b):
        for d in gather_descs(slot, b):
            d.start()

    def wait_gathers(slot, b):
        pltpu.make_async_copy(
            table_hbm.at[pl.ds(0, PER_B)], rows_v.at[slot],
            sems[slot]).wait()

    def accumulate(slot, b):
        zero = jnp.zeros((16,), jnp.float32)

        def body(r, carry):
            l0, l1, h0, h1 = carry
            base = r * UNROLL
            for j in range(UNROLL):
                lo = rows_v[slot, base + j, pl.ds(0, 16)]
                hi = rows_v[slot, base + j, pl.ds(16, 16)]
                if j % 2 == 0:
                    l0 = l0 + lo
                    h0 = h0 + hi
                else:
                    l1 = l1 + lo
                    h1 = h1 + hi
            return l0, l1, h0, h1

        l0, l1, h0, h1 = lax.fori_loop(
            0, PER_B // UNROLL, body, (zero, zero, zero, zero))
        out_v[b, pl.ds(0, 16)] = (l0 + l1) * SCALE
        out_v[b, pl.ds(16, 16)] = (h0 + h1) * SCALE

    start_gathers(0, 0)

    def outer(g, carry):
        for slot in range(2):
            b = 2 * g + slot
            nb = jnp.minimum(b + 1, B_PER_W - 1)
            wait_gathers(slot, b)
            start_gathers(1 - slot, nb)
            accumulate(slot, b)
        return carry

    lax.fori_loop(0, B_PER_W // 2, outer, 0)

    wait_gathers(0, B_PER_W - 1)

    pltpu.sync_copy(out_v, out_hbm.at[pl.ds(base_b, B_PER_W)])


@functools.partial(jax.jit, static_argnames=())
def _walk_aggregate(walk2d, user_table):
    mesh = plsc.VectorSubcoreMesh(core_axis_name="c", subcore_axis_name="s")
    f = functools.partial(
        pl.kernel,
        out_type=jax.ShapeDtypeStruct((BATCH, DIM), jnp.float32),
        mesh=mesh,
        scratch_types=[
            pltpu.VMEM((B_PER_W, PER_B), jnp.int32),
            pltpu.VMEM((2, PER_B, DIM), jnp.float32),
            pltpu.VMEM((B_PER_W, DIM), jnp.float32),
            pltpu.SemaphoreType.DMA,
            pltpu.SemaphoreType.DMA,
        ],
        compiler_params=pltpu.CompilerParams(use_tc_tiling_on_sc=False),
    )(_walk_body)
    return f(walk2d, user_table)


def kernel(walk_nodes, predict_times, user_table):
    del predict_times
    walk2d = walk_nodes.reshape(BATCH, PER_B)
    return _walk_aggregate(walk2d, user_table)

# --- scband reference (transcript-rebuilt; emitter-appended) ---
"""Pipeline reference for scband-walk-aggregator-79310866087949 (READ-ONLY COPY).

The authoritative reference and input builder live on the scoring server;
editing this copy changes nothing except your own understanding.
"""

import jax, jax.numpy as jnp
import numpy as np

BATCH = 4096
SAMPLE_NUM = 20
WALK_LENGTH = 20
DIM = 32
NUM_USERS = 1000000


def setup_inputs(seed: int = 0) -> dict:
    key = jax.random.key(seed)
    k1, k2, k3 = jax.random.split(key, 3)
    walk_nodes = jax.random.randint(k1, (BATCH * SAMPLE_NUM, WALK_LENGTH), 0, NUM_USERS, dtype=jnp.int64 if jax.config.jax_enable_x64 else jnp.int32).astype(jnp.int32)
    predict_times = jax.random.uniform(k2, (BATCH,), dtype=jnp.float32)
    user_table = jax.random.normal(k3, (NUM_USERS, DIM), dtype=jnp.float32) * 0.02
    return {"walk_nodes": walk_nodes, "predict_times": predict_times, "user_table": user_table}


def reference(walk_nodes, predict_times, user_table):
    # path_encoder.get_path_emb: embed each node on each sampled walk, then
    # mean-pool over the walk length to get one embedding per walk ("mean" encoder).
    emb = jnp.take(user_table, walk_nodes, axis=0)          # [B*S, L, dim] gather
    path_emb = jnp.mean(emb, axis=1)                        # [B*S, dim]
    # WalkAggregator.get_context_emb: reshape to [batch, sample_num, dim] and
    # segment-sum the sample_num walks per batch element.
    path_emb = path_emb.reshape(-1, SAMPLE_NUM, DIM)        # [B, S, dim]
    out = jnp.sum(path_emb, axis=1)                         # [B, dim]
    # nn.Dropout in eval mode is the identity.
    return out

if __name__ == "__main__":
    import jax
    _d = setup_inputs()
    print(jax.jit(kernel)(*tuple(_d.values())))

</pallas_src>

<mosaic_0001>
#map = affine_map<(d0, d1) -> (0, 0)>
module attributes {stable_mosaic.version = 14 : i64} {
  func.func @_walk_body(%arg0: i32, %arg1: i32, %arg2: memref<4096x400xi32, #tpu.memory_space<hbm>>, %arg3: memref<1000000x32xf32, #tpu.memory_space<hbm>>, %arg4: memref<4096x32xf32, #tpu.memory_space<hbm>>, %arg5: memref<128x400xi32, #tpu.memory_space<vmem>>, %arg6: memref<2x400x32xf32, #tpu.memory_space<vmem>>, %arg7: memref<128x32xf32, #tpu.memory_space<vmem>>, %arg8: memref<!tpu.dma_semaphore, #tpu.memory_space<semaphore_mem>>, %arg9: memref<!tpu.dma_semaphore, #tpu.memory_space<semaphore_mem>>) attributes {dimension_semantics = [#tpu.dimension_semantics<core_parallel>, #tpu.dimension_semantics<subcore_parallel>], iteration_bounds = array<i64: 2, 16>, scalar_prefetch = 0 : i64, scratch_operands = 5 : i64, tpu.core_type = #tpu.core_type<sc_vector_subcore>, window_params = [{transform_indices = #map}, {transform_indices = #map}, {transform_indices = #map}]} {
    %mul3A = arith.constant 2 : i32
    %mul3A_0 = arith.muli %arg1, %mul3A : i32
    %add3A = arith.addi %mul3A_0, %arg0 : i32
    %mul3A_1 = arith.constant 128 : i32
    %mul3A_2 = arith.muli %add3A, %mul3A_1 : i32
    "tpu.region"() ({
      %run_scoped3A = tpu.sem_alloc : memref<!tpu.dma_semaphore, #tpu.memory_space<semaphore_mem>>
      %dma_start3A_69 = arith.constant 0 : i32
      %dma_start3A_70 = tpu.memref_slice %arg2[%mul3A_2, %dma_start3A_69] : memref<4096x400xi32, #tpu.memory_space<hbm>> -> memref<128x400xi32, #tpu.memory_space<hbm>>
      %dma_start3A_71 = arith.constant 0 : i32
      %dma_start3A_72 = tpu.memref_slice %arg2[%mul3A_2, %dma_start3A_71] : memref<4096x400xi32, #tpu.memory_space<hbm>> -> memref<128x400xi32, #tpu.memory_space<hbm>>
      tpu.enqueue_dma source(%dma_start3A_72 : memref<128x400xi32, #tpu.memory_space<hbm>>) target(%arg5 : memref<128x400xi32, #tpu.memory_space<vmem>>) target_semaphore(%run_scoped3A : memref<!tpu.dma_semaphore, #tpu.memory_space<semaphore_mem>>)
      %dma_wait3A_73 = arith.constant 0 : i32
      %dma_wait3A_74 = tpu.memref_slice %arg2[%mul3A_2, %dma_wait3A_73] : memref<4096x400xi32, #tpu.memory_space<hbm>> -> memref<128x400xi32, #tpu.memory_space<hbm>>
      %dma_wait3A_75 = arith.constant 0 : i32
      %dma_wait3A_76 = tpu.memref_slice %arg2[%mul3A_2, %dma_wait3A_75] : memref<4096x400xi32, #tpu.memory_space<hbm>> -> memref<128x400xi32, #tpu.memory_space<hbm>>
      tpu.wait_dma2 semaphore(%run_scoped3A : memref<!tpu.dma_semaphore, #tpu.memory_space<semaphore_mem>>) src(%dma_wait3A_76 : memref<128x400xi32, #tpu.memory_space<hbm>>) dst(%arg5 : memref<128x400xi32, #tpu.memory_space<vmem>>)
      tpu.yield
    }) : () -> ()
    %dma_start3A = arith.constant 0 : i32
    %dma_start3A_3 = arith.constant 0 : i32
    %dma_start3A_4 = arith.constant 0 : i32
    %dma_start3A_5 = arith.constant 0 : i32
    %dma_start3A_6 = tpu.memref_slice %arg6[%dma_start3A_3, %dma_start3A_4, %dma_start3A_5] : memref<2x400x32xf32, #tpu.memory_space<vmem>> -> memref<1x128x32xf32, #tpu.memory_space<vmem>>
    %dma_start3A_7 = tpu.memref_squeeze %dma_start3A_6 : memref<1x128x32xf32, #tpu.memory_space<vmem>> -> memref<128x32xf32, #tpu.memory_space<vmem>>
    %dma_start3A_8 = arith.constant 0 : i32
    %dma_start3A_9 = tpu.memref_slice %arg5[%dma_start3A, %dma_start3A_8] : memref<128x400xi32, #tpu.memory_space<vmem>> -> memref<1x128xi32, #tpu.memory_space<vmem>>
    %dma_start3A_10 = tpu.memref_squeeze %dma_start3A_9 : memref<1x128xi32, #tpu.memory_space<vmem>> -> memref<128xi32, #tpu.memory_space<vmem>>
    %dma_start3A_11 = arith.constant 0 : i32
    %dma_start3A_12 = arith.constant 0 : i32
    %dma_start3A_13 = tpu.memref_slice %arg3[%dma_start3A_11, %dma_start3A_12] : memref<1000000x32xf32, #tpu.memory_space<hbm>> -> memref<1000000x32xf32, #tpu.memory_space<hbm>>
    tpu.enqueue_indirect_dma source(%dma_start3A_13 : memref<1000000x32xf32, #tpu.memory_space<hbm>>) target(%dma_start3A_7 : memref<128x32xf32, #tpu.memory_space<vmem>>) offsets(%dma_start3A_10 : memref<128xi32, #tpu.memory_space<vmem>>) semaphore(%arg8 : memref<!tpu.dma_semaphore, #tpu.memory_space<semaphore_mem>>)
    %dma_start3A_14 = arith.constant 0 : i32
    %dma_start3A_15 = arith.constant 0 : i32
    %dma_start3A_16 = arith.constant 128 : i32
    %dma_start3A_17 = arith.constant 0 : i32
    %dma_start3A_18 = tpu.memref_slice %arg6[%dma_start3A_15, %dma_start3A_16, %dma_start3A_17] : memref<2x400x32xf32, #tpu.memory_space<vmem>> -> memref<1x128x32xf32, #tpu.memory_space<vmem>>
    %dma_start3A_19 = tpu.memref_squeeze %dma_start3A_18 : memref<1x128x32xf32, #tpu.memory_space<vmem>> -> memref<128x32xf32, #tpu.memory_space<vmem>>
    %dma_start3A_20 = arith.constant 128 : i32
    %dma_start3A_21 = tpu.memref_slice %arg5[%dma_start3A_14, %dma_start3A_20] : memref<128x400xi32, #tpu.memory_space<vmem>> -> memref<1x128xi32, #tpu.memory_space<vmem>>
    %dma_start3A_22 = tpu.memref_squeeze %dma_start3A_21 : memref<1x128xi32, #tpu.memory_space<vmem>> -> memref<128xi32, #tpu.memory_space<vmem>>
    %dma_start3A_23 = arith.constant 0 : i32
    %dma_start3A_24 = arith.constant 0 : i32
    %dma_start3A_25 = tpu.memref_slice %arg3[%dma_start3A_23, %dma_start3A_24] : memref<1000000x32xf32, #tpu.memory_space<hbm>> -> memref<1000000x32xf32, #tpu.memory_space<hbm>>
    tpu.enqueue_indirect_dma source(%dma_start3A_25 : memref<1000000x32xf32, #tpu.memory_space<hbm>>) target(%dma_start3A_19 : memref<128x32xf32, #tpu.memory_space<vmem>>) offsets(%dma_start3A_22 : memref<128xi32, #tpu.memory_space<vmem>>) semaphore(%arg8 : memref<!tpu.dma_semaphore, #tpu.memory_space<semaphore_mem>>)
    %dma_start3A_26 = arith.constant 0 : i32
    %dma_start3A_27 = arith.constant 0 : i32
    %dma_start3A_28 = arith.constant 256 : i32
    %dma_start3A_29 = arith.constant 0 : i32
    %dma_start3A_30 = tpu.memref_slice %arg6[%dma_start3A_27, %dma_start3A_28, %dma_start3A_29] : memref<2x400x32xf32, #tpu.memory_space<vmem>> -> memref<1x128x32xf32, #tpu.memory_space<vmem>>
    %dma_start3A_31 = tpu.memref_squeeze %dma_start3A_30 : memref<1x128x32xf32, #tpu.memory_space<vmem>> -> memref<128x32xf32, #tpu.memory_space<vmem>>
    %dma_start3A_32 = arith.constant 256 : i32
    %dma_start3A_33 = tpu.memref_slice %arg5[%dma_start3A_26, %dma_start3A_32] : memref<128x400xi32, #tpu.memory_space<vmem>> -> memref<1x128xi32, #tpu.memory_space<vmem>>
    %dma_start3A_34 = tpu.memref_squeeze %dma_start3A_33 : memref<1x128xi32, #tpu.memory_space<vmem>> -> memref<128xi32, #tpu.memory_space<vmem>>
    %dma_start3A_35 = arith.constant 0 : i32
    %dma_start3A_36 = arith.constant 0 : i32
    %dma_start3A_37 = tpu.memref_slice %arg3[%dma_start3A_35, %dma_start3A_36] : memref<1000000x32xf32, #tpu.memory_space<hbm>> -> memref<1000000x32xf32, #tpu.memory_space<hbm>>
    tpu.enqueue_indirect_dma source(%dma_start3A_37 : memref<1000000x32xf32, #tpu.memory_space<hbm>>) target(%dma_start3A_31 : memref<128x32xf32, #tpu.memory_space<vmem>>) offsets(%dma_start3A_34 : memref<128xi32, #tpu.memory_space<vmem>>) semaphore(%arg8 : memref<!tpu.dma_semaphore, #tpu.memory_space<semaphore_mem>>)
    %dma_start3A_38 = arith.constant 0 : i32
    %dma_start3A_39 = arith.constant 0 : i32
    %dma_start3A_40 = arith.constant 384 : i32
    %dma_start3A_41 = arith.constant 0 : i32
    %dma_start3A_42 = tpu.memref_slice %arg6[%dma_start3A_39, %dma_start3A_40, %dma_start3A_41] : memref<2x400x32xf32, #tpu.memory_space<vmem>> -> memref<1x16x32xf32, #tpu.memory_space<vmem>>
    %dma_start3A_43 = tpu.memref_squeeze %dma_start3A_42 : memref<1x16x32xf32, #tpu.memory_space<vmem>> -> memref<16x32xf32, #tpu.memory_space<vmem>>
    %dma_start3A_44 = arith.constant 384 : i32
    %dma_start3A_45 = tpu.memref_slice %arg5[%dma_start3A_38, %dma_start3A_44] : memref<128x400xi32, #tpu.memory_space<vmem>> -> memref<1x16xi32, #tpu.memory_space<vmem>>
    %dma_start3A_46 = tpu.memref_squeeze %dma_start3A_45 : memref<1x16xi32, #tpu.memory_space<vmem>> -> memref<16xi32, #tpu.memory_space<vmem>>
    %dma_start3A_47 = arith.constant 0 : i32
    %dma_start3A_48 = arith.constant 0 : i32
    %dma_start3A_49 = tpu.memref_slice %arg3[%dma_start3A_47, %dma_start3A_48] : memref<1000000x32xf32, #tpu.memory_space<hbm>> -> memref<1000000x32xf32, #tpu.memory_space<hbm>>
    tpu.enqueue_indirect_dma source(%dma_start3A_49 : memref<1000000x32xf32, #tpu.memory_space<hbm>>) target(%dma_start3A_43 : memref<16x32xf32, #tpu.memory_space<vmem>>) offsets(%dma_start3A_46 : memref<16xi32, #tpu.memory_space<vmem>>) semaphore(%arg8 : memref<!tpu.dma_semaphore, #tpu.memory_space<semaphore_mem>>)
    %scan3A = arith.constant 0 : i32
    %scan3A_50 = arith.constant 0 : i32
    %scan3A_51 = arith.constant 64 : i32
    %scan3A_52 = arith.addi %scan3A_50, %scan3A_51 : i32
    %scan3A_53 = arith.constant 1 : i32
    scf.for %scan3A_69 = %scan3A_50 to %scan3A_52 step %scan3A_53  : i32 {
      %mul3A_70 = arith.constant 2 : i32
      %mul3A_71 = arith.muli %mul3A_70, %scan3A_69 : i32
      %add3A_72 = arith.constant 0 : i32
      %add3A_73 = arith.addi %mul3A_71, %add3A_72 : i32
      %add3A_74 = arith.constant 1 : i32
      %add3A_75 = arith.addi %add3A_73, %add3A_74 : i32
      %min3A = arith.constant 127 : i32
      %min3A_76 = arith.minsi %add3A_75, %min3A : i32
      %dma_wait3A_77 = arith.constant 0 : i32
      %dma_wait3A_78 = arith.constant 0 : i32
      %dma_wait3A_79 = arith.constant 0 : i32
      %dma_wait3A_80 = tpu.memref_slice %arg6[%dma_wait3A_77, %dma_wait3A_78, %dma_wait3A_79] : memref<2x400x32xf32, #tpu.memory_space<vmem>> -> memref<1x400x32xf32, #tpu.memory_space<vmem>>
      %dma_wait3A_81 = tpu.memref_squeeze %dma_wait3A_80 : memref<1x400x32xf32, #tpu.memory_space<vmem>> -> memref<400x32xf32, #tpu.memory_space<vmem>>
      %dma_wait3A_82 = arith.constant 0 : i32
      %dma_wait3A_83 = arith.constant 0 : i32
      %dma_wait3A_84 = tpu.memref_slice %arg3[%dma_wait3A_82, %dma_wait3A_83] : memref<1000000x32xf32, #tpu.memory_space<hbm>> -> memref<400x32xf32, #tpu.memory_space<hbm>>
      %dma_wait3A_85 = arith.constant 0 : i32
      %dma_wait3A_86 = arith.constant 0 : i32
      %dma_wait3A_87 = tpu.memref_slice %arg6[%dma_wait3A_77, %dma_wait3A_85, %dma_wait3A_86] : memref<2x400x32xf32, #tpu.memory_space<vmem>> -> memref<1x400x32xf32, #tpu.memory_space<vmem>>
      %dma_wait3A_88 = tpu.memref_squeeze %dma_wait3A_87 : memref<1x400x32xf32, #tpu.memory_space<vmem>> -> memref<400x32xf32, #tpu.memory_space<vmem>>
      %dma_wait3A_89 = arith.constant 0 : i32
      %dma_wait3A_90 = arith.constant 0 : i32
      %dma_wait3A_91 = tpu.memref_slice %arg3[%dma_wait3A_89, %dma_wait3A_90] : memref<1000000x32xf32, #tpu.memory_space<hbm>> -> memref<400x32xf32, #tpu.memory_space<hbm>>
      tpu.wait_dma2 semaphore(%arg8 : memref<!tpu.dma_semaphore, #tpu.memory_space<semaphore_mem>>) src(%dma_wait3A_91 : memref<400x32xf32, #tpu.memory_space<hbm>>) dst(%dma_wait3A_88 : memref<400x32xf32, #tpu.memory_space<vmem>>)
      %dma_start3A_92 = arith.constant 1 : i32
      %dma_start3A_93 = arith.constant 0 : i32
      %dma_start3A_94 = arith.constant 0 : i32
      %dma_start3A_95 = tpu.memref_slice %arg6[%dma_start3A_92, %dma_start3A_93, %dma_start3A_94] : memref<2x400x32xf32, #tpu.memory_space<vmem>> -> memref<1x128x32xf32, #tpu.memory_space<vmem>>
      %dma_start3A_96 = tpu.memref_squeeze %dma_start3A_95 : memref<1x128x32xf32, #tpu.memory_space<vmem>> -> memref<128x32xf32, #tpu.memory_space<vmem>>
      %dma_start3A_97 = arith.constant 0 : i32
      %dma_start3A_98 = tpu.memref_slice %arg5[%min3A_76, %dma_start3A_97] : memref<128x400xi32, #tpu.memory_space<vmem>> -> memref<1x128xi32, #tpu.memory_space<vmem>>
      %dma_start3A_99 = tpu.memref_squeeze %dma_start3A_98 : memref<1x128xi32, #tpu.memory_space<vmem>> -> memref<128xi32, #tpu.memory_space<vmem>>
      %dma_start3A_100 = arith.constant 0 : i32
      %dma_start3A_101 = arith.constant 0 : i32
      %dma_start3A_102 = tpu.memref_slice %arg3[%dma_start3A_100, %dma_start3A_101] : memref<1000000x32xf32, #tpu.memory_space<hbm>> -> memref<1000000x32xf32, #tpu.memory_space<hbm>>
      tpu.enqueue_indirect_dma source(%dma_start3A_102 : memref<1000000x32xf32, #tpu.memory_space<hbm>>) target(%dma_start3A_96 : memref<128x32xf32, #tpu.memory_space<vmem>>) offsets(%dma_start3A_99 : memref<128xi32, #tpu.memory_space<vmem>>) semaphore(%arg9 : memref<!tpu.dma_semaphore, #tpu.memory_space<semaphore_mem>>)
      %dma_start3A_103 = arith.constant 1 : i32
      %dma_start3A_104 = arith.constant 128 : i32
      %dma_start3A_105 = arith.constant 0 : i32
      %dma_start3A_106 = tpu.memref_slice %arg6[%dma_start3A_103, %dma_start3A_104, %dma_start3A_105] : memref<2x400x32xf32, #tpu.memory_space<vmem>> -> memref<1x128x32xf32, #tpu.memory_space<vmem>>
      %dma_start3A_107 = tpu.memref_squeeze %dma_start3A_106 : memref<1x128x32xf32, #tpu.memory_space<vmem>> -> memref<128x32xf32, #tpu.memory_space<vmem>>
      %dma_start3A_108 = arith.constant 128 : i32
      %dma_start3A_109 = tpu.memref_slice %arg5[%min3A_76, %dma_start3A_108] : memref<128x400xi32, #tpu.memory_space<vmem>> -> memref<1x128xi32, #tpu.memory_space<vmem>>
      %dma_start3A_110 = tpu.memref_squeeze %dma_start3A_109 : memref<1x128xi32, #tpu.memory_space<vmem>> -> memref<128xi32, #tpu.memory_space<vmem>>
      %dma_start3A_111 = arith.constant 0 : i32
      %dma_start3A_112 = arith.constant 0 : i32
      %dma_start3A_113 = tpu.memref_slice %arg3[%dma_start3A_111, %dma_start3A_112] : memref<1000000x32xf32, #tpu.memory_space<hbm>> -> memref<1000000x32xf32, #tpu.memory_space<hbm>>
      tpu.enqueue_indirect_dma source(%dma_start3A_113 : memref<1000000x32xf32, #tpu.memory_space<hbm>>) target(%dma_start3A_107 : memref<128x32xf32, #tpu.memory_space<vmem>>) offsets(%dma_start3A_110 : memref<128xi32, #tpu.memory_space<vmem>>) semaphore(%arg9 : memref<!tpu.dma_semaphore, #tpu.memory_space<semaphore_mem>>)
      %dma_start3A_114 = arith.constant 1 : i32
      %dma_start3A_115 = arith.constant 256 : i32
      %dma_start3A_116 = arith.constant 0 : i32
      %dma_start3A_117 = tpu.memref_slice %arg6[%dma_start3A_114, %dma_start3A_115, %dma_start3A_116] : memref<2x400x32xf32, #tpu.memory_space<vmem>> -> memref<1x128x32xf32, #tpu.memory_space<vmem>>
      %dma_start3A_118 = tpu.memref_squeeze %dma_start3A_117 : memref<1x128x32xf32, #tpu.memory_space<vmem>> -> memref<128x32xf32, #tpu.memory_space<vmem>>
      %dma_start3A_119 = arith.constant 256 : i32
      %dma_start3A_120 = tpu.memref_slice %arg5[%min3A_76, %dma_start3A_119] : memref<128x400xi32, #tpu.memory_space<vmem>> -> memref<1x128xi32, #tpu.memory_space<vmem>>
      %dma_start3A_121 = tpu.memref_squeeze %dma_start3A_120 : memref<1x128xi32, #tpu.memory_space<vmem>> -> memref<128xi32, #tpu.memory_space<vmem>>
      %dma_start3A_122 = arith.constant 0 : i32
      %dma_start3A_123 = arith.constant 0 : i32
      %dma_start3A_124 = tpu.memref_slice %arg3[%dma_start3A_122, %dma_start3A_123] : memref<1000000x32xf32, #tpu.memory_space<hbm>> -> memref<1000000x32xf32, #tpu.memory_space<hbm>>
      tpu.enqueue_indirect_dma source(%dma_start3A_124 : memref<1000000x32xf32, #tpu.memory_space<hbm>>) target(%dma_start3A_118 : memref<128x32xf32, #tpu.memory_space<vmem>>) offsets(%dma_start3A_121 : memref<128xi32, #tpu.memory_space<vmem>>) semaphore(%arg9 : memref<!tpu.dma_semaphore, #tpu.memory_space<semaphore_mem>>)
      %dma_start3A_125 = arith.constant 1 : i32
      %dma_start3A_126 = arith.constant 384 : i32
      %dma_start3A_127 = arith.constant 0 : i32
      %dma_start3A_128 = tpu.memref_slice %arg6[%dma_start3A_125, %dma_start3A_126, %dma_start3A_127] : memref<2x400x32xf32, #tpu.memory_space<vmem>> -> memref<1x16x32xf32, #tpu.memory_space<vmem>>
      %dma_start3A_129 = tpu.memref_squeeze %dma_start3A_128 : memref<1x16x32xf32, #tpu.memory_space<vmem>> -> memref<16x32xf32, #tpu.memory_space<vmem>>
      %dma_start3A_130 = arith.constant 384 : i32
      %dma_start3A_131 = tpu.memref_slice %arg5[%min3A_76, %dma_start3A_130] : memref<128x400xi32, #tpu.memory_space<vmem>> -> memref<1x16xi32, #tpu.memory_space<vmem>>
      %dma_start3A_132 = tpu.memref_squeeze %dma_start3A_131 : memref<1x16xi32, #tpu.memory_space<vmem>> -> memref<16xi32, #tpu.memory_space<vmem>>
      %dma_start3A_133 = arith.constant 0 : i32
      %dma_start3A_134 = arith.constant 0 : i32
      %dma_start3A_135 = tpu.memref_slice %arg3[%dma_start3A_133, %dma_start3A_134] : memref<1000000x32xf32, #tpu.memory_space<hbm>> -> memref<1000000x32xf32, #tpu.memory_space<hbm>>
      tpu.enqueue_indirect_dma source(%dma_start3A_135 : memref<1000000x32xf32, #tpu.memory_space<hbm>>) target(%dma_start3A_129 : memref<16x32xf32, #tpu.memory_space<vmem>>) offsets(%dma_start3A_132 : memref<16xi32, #tpu.memory_space<vmem>>) semaphore(%arg9 : memref<!tpu.dma_semaphore, #tpu.memory_space<semaphore_mem>>)
      %broadcast_in_dim3A = arith.constant 0.000000e+00 : f32
      %broadcast_in_dim3A_136 = vector.broadcast %broadcast_in_dim3A : f32 to vector<16xf32>
      %scan3A_137 = arith.constant 0 : i32
      %scan3A_138 = arith.constant 50 : i32
      %scan3A_139 = arith.addi %scan3A_137, %scan3A_138 : i32
      %scan3A_140 = arith.constant 1 : i32
      %scan3A_141:4 = scf.for %scan3A_253 = %scan3A_137 to %scan3A_139 step %scan3A_140 iter_args(%scan3A_254 = %broadcast_in_dim3A_136, %scan3A_255 = %broadcast_in_dim3A_136, %scan3A_256 = %broadcast_in_dim3A_136, %scan3A_257 = %broadcast_in_dim3A_136) -> (vector<16xf32>, vector<16xf32>, vector<16xf32>, vector<16xf32>)  : i32 {
        %mul3A_258 = arith.constant 8 : i32
        %mul3A_259 = arith.muli %scan3A_253, %mul3A_258 : i32
        %add3A_260 = arith.constant 0 : i32
        %add3A_261 = arith.addi %mul3A_259, %add3A_260 : i32
        %get3A = arith.constant 0 : i32
        %get3A_262 = arith.index_cast %get3A : i32 to index
        %get3A_263 = arith.index_cast %add3A_261 : i32 to index
        %get3A_264 = arith.constant 0 : index
        %get3A_265 = tpu.vector_load %arg6[%get3A_262, %get3A_263, %get3A_264] {strides = array<i32>} : memref<2x400x32xf32, #tpu.memory_space<vmem>>, vector<1x1x16xf32>,
        %get3A_266 = vector.shape_cast %get3A_265 : vector<1x1x16xf32> to vector<16xf32>
        %add3A_267 = arith.constant 0 : i32
        %add3A_268 = arith.addi %mul3A_259, %add3A_267 : i32
        %get3A_269 = arith.constant 0 : i32
        %get3A_270 = arith.index_cast %get3A_269 : i32 to index
        %get3A_271 = arith.index_cast %add3A_268 : i32 to index
        %get3A_272 = arith.constant 16 : index
        %get3A_273 = tpu.vector_load %arg6[%get3A_270, %get3A_271, %get3A_272] {strides = array<i32>} : memref<2x400x32xf32, #tpu.memory_space<vmem>>, vector<1x1x16xf32>,
        %get3A_274 = vector.shape_cast %get3A_273 : vector<1x1x16xf32> to vector<16xf32>
        %add3A_275 = arith.addf %scan3A_254, %get3A_266 : vector<16xf32>
        %add3A_276 = arith.addf %scan3A_256, %get3A_274 : vector<16xf32>
        %add3A_277 = arith.constant 1 : i32
        %add3A_278 = arith.addi %mul3A_259, %add3A_277 : i32
        %get3A_279 = arith.constant 0 : i32
        %get3A_280 = arith.index_cast %get3A_279 : i32 to index
        %get3A_281 = arith.index_cast %add3A_278 : i32 to index
        %get3A_282 = arith.constant 0 : index
        %get3A_283 = tpu.vector_load %arg6[%get3A_280, %get3A_281, %get3A_282] {strides = array<i32>} : memref<2x400x32xf32, #tpu.memory_space<vmem>>, vector<1x1x16xf32>,
        %get3A_284 = vector.shape_cast %get3A_283 : vector<1x1x16xf32> to vector<16xf32>
        %add3A_285 = arith.constant 1 : i32
        %add3A_286 = arith.addi %mul3A_259, %add3A_285 : i32
        %get3A_287 = arith.constant 0 : i32
        %get3A_288 = arith.index_cast %get3A_287 : i32 to index
        %get3A_289 = arith.index_cast %add3A_286 : i32 to index
        %get3A_290 = arith.constant 16 : index
        %get3A_291 = tpu.vector_load %arg6[%get3A_288, %get3A_289, %get3A_290] {strides = array<i32>} : memref<2x400x32xf32, #tpu.memory_space<vmem>>, vector<1x1x16xf32>,
        %get3A_292 = vector.shape_cast %get3A_291 : vector<1x1x16xf32> to vector<16xf32>
        %add3A_293 = arith.addf %scan3A_255, %get3A_284 : vector<16xf32>
        %add3A_294 = arith.addf %scan3A_257, %get3A_292 : vector<16xf32>
        %add3A_295 = arith.constant 2 : i32
        %add3A_296 = arith.addi %mul3A_259, %add3A_295 : i32
        %get3A_297 = arith.constant 0 : i32
        %get3A_298 = arith.index_cast %get3A_297 : i32 to index
        %get3A_299 = arith.index_cast %add3A_296 : i32 to index
        %get3A_300 = arith.constant 0 : index
        %get3A_301 = tpu.vector_load %arg6[%get3A_298, %get3A_299, %get3A_300] {strides = array<i32>} : memref<2x400x32xf32, #tpu.memory_space<vmem>>, vector<1x1x16xf32>,
        %get3A_302 = vector.shape_cast %get3A_301 : vector<1x1x16xf32> to vector<16xf32>
        %add3A_303 = arith.constant 2 : i32
        %add3A_304 = arith.addi %mul3A_259, %add3A_303 : i32
        %get3A_305 = arith.constant 0 : i32
        %get3A_306 = arith.index_cast %get3A_305 : i32 to index
        %get3A_307 = arith.index_cast %add3A_304 : i32 to index
        %get3A_308 = arith.constant 16 : index
        %get3A_309 = tpu.vector_load %arg6[%get3A_306, %get3A_307, %get3A_308] {strides = array<i32>} : memref<2x400x32xf32, #tpu.memory_space<vmem>>, vector<1x1x16xf32>,
        %get3A_310 = vector.shape_cast %get3A_309 : vector<1x1x16xf32> to vector<16xf32>
        %add3A_311 = arith.addf %add3A_275, %get3A_302 : vector<16xf32>
        %add3A_312 = arith.addf %add3A_276, %get3A_310 : vector<16xf32>
        %add3A_313 = arith.constant 3 : i32
        %add3A_314 = arith.addi %mul3A_259, %add3A_313 : i32
        %get3A_315 = arith.constant 0 : i32
        %get3A_316 = arith.index_cast %get3A_315 : i32 to index
        %get3A_317 = arith.index_cast %add3A_314 : i32 to index
        %get3A_318 = arith.constant 0 : index
        %get3A_319 = tpu.vector_load %arg6[%get3A_316, %get3A_317, %get3A_318] {strides = array<i32>} : memref<2x400x32xf32, #tpu.memory_space<vmem>>, vector<1x1x16xf32>,
        %get3A_320 = vector.shape_cast %get3A_319 : vector<1x1x16xf32> to vector<16xf32>
        %add3A_321 = arith.constant 3 : i32
        %add3A_322 = arith.addi %mul3A_259, %add3A_321 : i32
        %get3A_323 = arith.constant 0 : i32
        %get3A_324 = arith.index_cast %get3A_323 : i32 to index
        %get3A_325 = arith.index_cast %add3A_322 : i32 to index
        %get3A_326 = arith.constant 16 : index
        %get3A_327 = tpu.vector_load %arg6[%get3A_324, %get3A_325, %get3A_326] {strides = array<i32>} : memref<2x400x32xf32, #tpu.memory_space<vmem>>, vector<1x1x16xf32>,
        %get3A_328 = vector.shape_cast %get3A_327 : vector<1x1x16xf32> to vector<16xf32>
        %add3A_329 = arith.addf %add3A_293, %get3A_320 : vector<16xf32>
        %add3A_330 = arith.addf %add3A_294, %get3A_328 : vector<16xf32>
        %add3A_331 = arith.constant 4 : i32
        %add3A_332 = arith.addi %mul3A_259, %add3A_331 : i32
        %get3A_333 = arith.constant 0 : i32
        %get3A_334 = arith.index_cast %get3A_333 : i32 to index
        %get3A_335 = arith.index_cast %add3A_332 : i32 to index
        %get3A_336 = arith.constant 0 : index
        %get3A_337 = tpu.vector_load %arg6[%get3A_334, %get3A_335, %get3A_336] {strides = array<i32>} : memref<2x400x32xf32, #tpu.memory_space<vmem>>, vector<1x1x16xf32>,
        %get3A_338 = vector.shape_cast %get3A_337 : vector<1x1x16xf32> to vector<16xf32>
        %add3A_339 = arith.constant 4 : i32
        %add3A_340 = arith.addi %mul3A_259, %add3A_339 : i32
        %get3A_341 = arith.constant 0 : i32
        %get3A_342 = arith.index_cast %get3A_341 : i32 to index
        %get3A_343 = arith.index_cast %add3A_340 : i32 to index
        %get3A_344 = arith.constant 16 : index
        %get3A_345 = tpu.vector_load %arg6[%get3A_342, %get3A_343, %get3A_344] {strides = array<i32>} : memref<2x400x32xf32, #tpu.memory_space<vmem>>, vector<1x1x16xf32>,
        %get3A_346 = vector.shape_cast %get3A_345 : vector<1x1x16xf32> to vector<16xf32>
        %add3A_347 = arith.addf %add3A_311, %get3A_338 : vector<16xf32>
        %add3A_348 = arith.addf %add3A_312, %get3A_346 : vector<16xf32>
        %add3A_349 = arith.constant 5 : i32
        %add3A_350 = arith.addi %mul3A_259, %add3A_349 : i32
        %get3A_351 = arith.constant 0 : i32
        %get3A_352 = arith.index_cast %get3A_351 : i32 to index
        %get3A_353 = arith.index_cast %add3A_350 : i32 to index
        %get3A_354 = arith.constant 0 : index
        %get3A_355 = tpu.vector_load %arg6[%get3A_352, %get3A_353, %get3A_354] {strides = array<i32>} : memref<2x400x32xf32, #tpu.memory_space<vmem>>, vector<1x1x16xf32>,
        %get3A_356 = vector.shape_cast %get3A_355 : vector<1x1x16xf32> to vector<16xf32>
        %add3A_357 = arith.constant 5 : i32
        %add3A_358 = arith.addi %mul3A_259, %add3A_357 : i32
        %get3A_359 = arith.constant 0 : i32
        %get3A_360 = arith.index_cast %get3A_359 : i32 to index
        %get3A_361 = arith.index_cast %add3A_358 : i32 to index
        %get3A_362 = arith.constant 16 : index
        %get3A_363 = tpu.vector_load %arg6[%get3A_360, %get3A_361, %get3A_362] {strides = array<i32>} : memref<2x400x32xf32, #tpu.memory_space<vmem>>, vector<1x1x16xf32>,
        %get3A_364 = vector.shape_cast %get3A_363 : vector<1x1x16xf32> to vector<16xf32>
        %add3A_365 = arith.addf %add3A_329, %get3A_356 : vector<16xf32>
        %add3A_366 = arith.addf %add3A_330, %get3A_364 : vector<16xf32>
        %add3A_367 = arith.constant 6 : i32
        %add3A_368 = arith.addi %mul3A_259, %add3A_367 : i32
        %get3A_369 = arith.constant 0 : i32
        %get3A_370 = arith.index_cast %get3A_369 : i32 to index
        %get3A_371 = arith.index_cast %add3A_368 : i32 to index
        %get3A_372 = arith.constant 0 : index
        %get3A_373 = tpu.vector_load %arg6[%get3A_370, %get3A_371, %get3A_372] {strides = array<i32>} : memref<2x400x32xf32, #tpu.memory_space<vmem>>, vector<1x1x16xf32>,
        %get3A_374 = vector.shape_cast %get3A_373 : vector<1x1x16xf32> to vector<16xf32>
        %add3A_375 = arith.constant 6 : i32
        %add3A_376 = arith.addi %mul3A_259, %add3A_375 : i32
        %get3A_377 = arith.constant 0 : i32
        %get3A_378 = arith.index_cast %get3A_377 : i32 to index
        %get3A_379 = arith.index_cast %add3A_376 : i32 to index
        %get3A_380 = arith.constant 16 : index
        %get3A_381 = tpu.vector_load %arg6[%get3A_378, %get3A_379, %get3A_380] {strides = array<i32>} : memref<2x400x32xf32, #tpu.memory_space<vmem>>, vector<1x1x16xf32>,
        %get3A_382 = vector.shape_cast %get3A_381 : vector<1x1x16xf32> to vector<16xf32>
        %add3A_383 = arith.addf %add3A_347, %get3A_374 : vector<16xf32>
        %add3A_384 = arith.addf %add3A_348, %get3A_382 : vector<16xf32>
        %add3A_385 = arith.constant 7 : i32
        %add3A_386 = arith.addi %mul3A_259, %add3A_385 : i32
        %get3A_387 = arith.constant 0 : i32
        %get3A_388 = arith.index_cast %get3A_387 : i32 to index
        %get3A_389 = arith.index_cast %add3A_386 : i32 to index
        %get3A_390 = arith.constant 0 : index
        %get3A_391 = tpu.vector_load %arg6[%get3A_388, %get3A_389, %get3A_390] {strides = array<i32>} : memref<2x400x32xf32, #tpu.memory_space<vmem>>, vector<1x1x16xf32>,
        %get3A_392 = vector.shape_cast %get3A_391 : vector<1x1x16xf32> to vector<16xf32>
        %add3A_393 = arith.constant 7 : i32
        %add3A_394 = arith.addi %mul3A_259, %add3A_393 : i32
        %get3A_395 = arith.constant 0 : i32
        %get3A_396 = arith.index_cast %get3A_395 : i32 to index
        %get3A_397 = arith.index_cast %add3A_394 : i32 to index
        %get3A_398 = arith.constant 16 : index
        %get3A_399 = tpu.vector_load %arg6[%get3A_396, %get3A_397, %get3A_398] {strides = array<i32>} : memref<2x400x32xf32, #tpu.memory_space<vmem>>, vector<1x1x16xf32>,
        %get3A_400 = vector.shape_cast %get3A_399 : vector<1x1x16xf32> to vector<16xf32>
        %add3A_401 = arith.addf %add3A_365, %get3A_392 : vector<16xf32>
        %add3A_402 = arith.addf %add3A_366, %get3A_400 : vector<16xf32>
        scf.yield %add3A_383, %add3A_401, %add3A_384, %add3A_402 : vector<16xf32>, vector<16xf32>, vector<16xf32>, vector<16xf32>
      }
      %scan3A_142 = arith.constant 50 : i32
      %add3A_143 = arith.addf %scan3A_141#0, %scan3A_141#1 : vector<16xf32>
      %mul3A_144 = arith.constant 5.000000e-02 : f32
      %mul3A_145 = vector.broadcast %mul3A_144 : f32 to vector<16xf32>
      %mul3A_146 = arith.mulf %add3A_143, %mul3A_145 : vector<16xf32>
      %swap3A = arith.index_cast %add3A_73 : i32 to index
      %swap3A_147 = arith.constant 0 : index
      %swap3A_148 = tpu.vector_load %arg7[%swap3A, %swap3A_147] {strides = array<i32>} : memref<128x32xf32, #tpu.memory_space<vmem>>, vector<1x16xf32>,
      %swap3A_149 = vector.shape_cast %swap3A_148 : vector<1x16xf32> to vector<16xf32>
      %swap3A_150 = vector.shape_cast %mul3A_146 : vector<16xf32> to vector<1x16xf32>
      tpu.vector_store %arg7[%swap3A, %swap3A_147], %swap3A_150 {strides = array<i32>} : memref<128x32xf32, #tpu.memory_space<vmem>>, vector<1x16xf32>,
      %add3A_151 = arith.addf %scan3A_141#2, %scan3A_141#3 : vector<16xf32>
      %mul3A_152 = arith.constant 5.000000e-02 : f32
      %mul3A_153 = vector.broadcast %mul3A_152 : f32 to vector<16xf32>
      %mul3A_154 = arith.mulf %add3A_151, %mul3A_153 : vector<16xf32>
      %swap3A_155 = arith.index_cast %add3A_73 : i32 to index
      %swap3A_156 = arith.constant 16 : index
      %swap3A_157 = tpu.vector_load %arg7[%swap3A_155, %swap3A_156] {strides = array<i32>} : memref<128x32xf32, #tpu.memory_space<vmem>>, vector<1x16xf32>,
      %swap3A_158 = vector.shape_cast %swap3A_157 : vector<1x16xf32> to vector<16xf32>
      %swap3A_159 = vector.shape_cast %mul3A_154 : vector<16xf32> to vector<1x16xf32>
      tpu.vector_store %arg7[%swap3A_155, %swap3A_156], %swap3A_159 {strides = array<i32>} : memref<128x32xf32, #tpu.memory_space<vmem>>, vector<1x16xf32>,
      %mul3A_160 = arith.constant 2 : i32
      %mul3A_161 = arith.muli %mul3A_160, %scan3A_69 : i32
      %add3A_162 = arith.constant 1 : i32
      %add3A_163 = arith.addi %mul3A_161, %add3A_162 : i32
      %add3A_164 = arith.constant 1 : i32
      %add3A_165 = arith.addi %add3A_163, %add3A_164 : i32
      %min3A_166 = arith.constant 127 : i32
      %min3A_167 = arith.minsi %add3A_165, %min3A_166 : i32
      %dma_wait3A_168 = arith.constant 1 : i32
      %dma_wait3A_169 = arith.constant 0 : i32
      %dma_wait3A_170 = arith.constant 0 : i32
      %dma_wait3A_171 = tpu.memref_slice %arg6[%dma_wait3A_168, %dma_wait3A_169, %dma_wait3A_170] : memref<2x400x32xf32, #tpu.memory_space<vmem>> -> memref<1x400x32xf32, #tpu.memory_space<vmem>>
      %dma_wait3A_172 = tpu.memref_squeeze %dma_wait3A_171 : memref<1x400x32xf32, #tpu.memory_space<vmem>> -> memref<400x32xf32, #tpu.memory_space<vmem>>
      %dma_wait3A_173 = arith.constant 0 : i32
      %dma_wait3A_174 = arith.constant 0 : i32
      %dma_wait3A_175 = tpu.memref_slice %arg3[%dma_wait3A_173, %dma_wait3A_174] : memref<1000000x32xf32, #tpu.memory_space<hbm>> -> memref<400x32xf32, #tpu.memory_space<hbm>>
      %dma_wait3A_176 = arith.constant 0 : i32
      %dma_wait3A_177 = arith.constant 0 : i32
      %dma_wait3A_178 = tpu.memref_slice %arg6[%dma_wait3A_168, %dma_wait3A_176, %dma_wait3A_177] : memref<2x400x32xf32, #tpu.memory_space<vmem>> -> memref<1x400x32xf32, #tpu.memory_space<vmem>>
      %dma_wait3A_179 = tpu.memref_squeeze %dma_wait3A_178 : memref<1x400x32xf32, #tpu.memory_space<vmem>> -> memref<400x32xf32, #tpu.memory_space<vmem>>
      %dma_wait3A_180 = arith.constant 0 : i32
      %dma_wait3A_181 = arith.constant 0 : i32
      %dma_wait3A_182 = tpu.memref_slice %arg3[%dma_wait3A_180, %dma_wait3A_181] : memref<1000000x32xf32, #tpu.memory_space<hbm>> -> memref<400x32xf32, #tpu.memory_space<hbm>>
      tpu.wait_dma2 semaphore(%arg9 : memref<!tpu.dma_semaphore, #tpu.memory_space<semaphore_mem>>) src(%dma_wait3A_182 : memref<400x32xf32, #tpu.memory_space<hbm>>) dst(%dma_wait3A_179 : memref<400x32xf32, #tpu.memory_space<vmem>>)
      %dma_start3A_183 = arith.constant 0 : i32
      %dma_start3A_184 = arith.constant 0 : i32
      %dma_start3A_185 = arith.constant 0 : i32
      %dma_start3A_186 = tpu.memref_slice %arg6[%dma_start3A_183, %dma_start3A_184, %dma_start3A_185] : memref<2x400x32xf32, #tpu.memory_space<vmem>> -> memref<1x128x32xf32, #tpu.memory_space<vmem>>
      %dma_start3A_187 = tpu.memref_squeeze %dma_start3A_186 : memref<1x128x32xf32, #tpu.memory_space<vmem>> -> memref<128x32xf32, #tpu.memory_space<vmem>>
      %dma_start3A_188 = arith.constant 0 : i32
      %dma_start3A_189 = tpu.memref_slice %arg5[%min3A_167, %dma_start3A_188] : memref<128x400xi32, #tpu.memory_space<vmem>> -> memref<1x128xi32, #tpu.memory_space<vmem>>
      %dma_start3A_190 = tpu.memref_squeeze %dma_start3A_189 : memref<1x128xi32, #tpu.memory_space<vmem>> -> memref<128xi32, #tpu.memory_space<vmem>>
      %dma_start3A_191 = arith.constant 0 : i32
      %dma_start3A_192 = arith.constant 0 : i32
      %dma_start3A_193 = tpu.memref_slice %arg3[%dma_start3A_191, %dma_start3A_192] : memref<1000000x32xf32, #tpu.memory_space<hbm>> -> memref<1000000x32xf32, #tpu.memory_space<hbm>>
      tpu.enqueue_indirect_dma source(%dma_start3A_193 : memref<1000000x32xf32, #tpu.memory_space<hbm>>) target(%dma_start3A_187 : memref<128x32xf32, #tpu.memory_space<vmem>>) offsets(%dma_start3A_190 : memref<128xi32, #tpu.memory_space<vmem>>) semaphore(%arg8 : memref<!tpu.dma_semaphore, #tpu.memory_space<semaphore_mem>>)
      %dma_start3A_194 = arith.constant 0 : i32
      %dma_start3A_195 = arith.constant 128 : i32
      %dma_start3A_196 = arith.constant 0 : i32
      %dma_start3A_197 = tpu.memref_slice %arg6[%dma_start3A_194, %dma_start3A_195, %dma_start3A_196] : memref<2x400x32xf32, #tpu.memory_space<vmem>> -> memref<1x128x32xf32, #tpu.memory_space<vmem>>
      %dma_start3A_198 = tpu.memref_squeeze %dma_start3A_197 : memref<1x128x32xf32, #tpu.memory_space<vmem>> -> memref<128x32xf32, #tpu.memory_space<vmem>>
      %dma_start3A_199 = arith.constant 128 : i32
      %dma_start3A_200 = tpu.memref_slice %arg5[%min3A_167, %dma_start3A_199] : memref<128x400xi32, #tpu.memory_space<vmem>> -> memref<1x128xi32, #tpu.memory_space<vmem>>
      %dma_start3A_201 = tpu.memref_squeeze %dma_start3A_200 : memref<1x128xi32, #tpu.memory_space<vmem>> -> memref<128xi32, #tpu.memory_space<vmem>>
      %dma_start3A_202 = arith.constant 0 : i32
      %dma_start3A_203 = arith.constant 0 : i32
      %dma_start3A_204 = tpu.memref_slice %arg3[%dma_start3A_202, %dma_start3A_203] : memref<1000000x32xf32, #tpu.memory_space<hbm>> -> memref<1000000x32xf32, #tpu.memory_space<hbm>>
      tpu.enqueue_indirect_dma source(%dma_start3A_204 : memref<1000000x32xf32, #tpu.memory_space<hbm>>) target(%dma_start3A_198 : memref<128x32xf32, #tpu.memory_space<vmem>>) offsets(%dma_start3A_201 : memref<128xi32, #tpu.memory_space<vmem>>) semaphore(%arg8 : memref<!tpu.dma_semaphore, #tpu.memory_space<semaphore_mem>>)
      %dma_start3A_205 = arith.constant 0 : i32
      %dma_start3A_206 = arith.constant 256 : i32
      %dma_start3A_207 = arith.constant 0 : i32
      %dma_start3A_208 = tpu.memref_slice %arg6[%dma_start3A_205, %dma_start3A_206, %dma_start3A_207] : memref<2x400x32xf32, #tpu.memory_space<vmem>> -> memref<1x128x32xf32, #tpu.memory_space<vmem>>
      %dma_start3A_209 = tpu.memref_squeeze %dma_start3A_208 : memref<1x128x32xf32, #tpu.memory_space<vmem>> -> memref<128x32xf32, #tpu.memory_space<vmem>>
      %dma_start3A_210 = arith.constant 256 : i32
      %dma_start3A_211 = tpu.memref_slice %arg5[%min3A_167, %dma_start3A_210] : memref<128x400xi32, #tpu.memory_space<vmem>> -> memref<1x128xi32, #tpu.memory_space<vmem>>
      %dma_start3A_212 = tpu.memref_squeeze %dma_start3A_211 : memref<1x128xi32, #tpu.memory_space<vmem>> -> memref<128xi32, #tpu.memory_space<vmem>>
      %dma_start3A_213 = arith.constant 0 : i32
      %dma_start3A_214 = arith.constant 0 : i32
      %dma_start3A_215 = tpu.memref_slice %arg3[%dma_start3A_213, %dma_start3A_214] : memref<1000000x32xf32, #tpu.memory_space<hbm>> -> memref<1000000x32xf32, #tpu.memory_space<hbm>>
      tpu.enqueue_indirect_dma source(%dma_start3A_215 : memref<1000000x32xf32, #tpu.memory_space<hbm>>) target(%dma_start3A_209 : memref<128x32xf32, #tpu.memory_space<vmem>>) offsets(%dma_start3A_212 : memref<128xi32, #tpu.memory_space<vmem>>) semaphore(%arg8 : memref<!tpu.dma_semaphore, #tpu.memory_space<semaphore_mem>>)
      %dma_start3A_216 = arith.constant 0 : i32
      %dma_start3A_217 = arith.constant 384 : i32
      %dma_start3A_218 = arith.constant 0 : i32
      %dma_start3A_219 = tpu.memref_slice %arg6[%dma_start3A_216, %dma_start3A_217, %dma_start3A_218] : memref<2x400x32xf32, #tpu.memory_space<vmem>> -> memref<1x16x32xf32, #tpu.memory_space<vmem>>
      %dma_start3A_220 = tpu.memref_squeeze %dma_start3A_219 : memref<1x16x32xf32, #tpu.memory_space<vmem>> -> memref<16x32xf32, #tpu.memory_space<vmem>>
      %dma_start3A_221 = arith.constant 384 : i32
      %dma_start3A_222 = tpu.memref_slice %arg5[%min3A_167, %dma_start3A_221] : memref<128x400xi32, #tpu.memory_space<vmem>> -> memref<1x16xi32, #tpu.memory_space<vmem>>
      %dma_start3A_223 = tpu.memref_squeeze %dma_start3A_222 : memref<1x16xi32, #tpu.memory_space<vmem>> -> memref<16xi32, #tpu.memory_space<vmem>>
      %dma_start3A_224 = arith.constant 0 : i32
      %dma_start3A_225 = arith.constant 0 : i32
      %dma_start3A_226 = tpu.memref_slice %arg3[%dma_start3A_224, %dma_start3A_225] : memref<1000000x32xf32, #tpu.memory_space<hbm>> -> memref<1000000x32xf32, #tpu.memory_space<hbm>>
      tpu.enqueue_indirect_dma source(%dma_start3A_226 : memref<1000000x32xf32, #tpu.memory_space<hbm>>) target(%dma_start3A_220 : memref<16x32xf32, #tpu.memory_space<vmem>>) offsets(%dma_start3A_223 : memref<16xi32, #tpu.memory_space<vmem>>) semaphore(%arg8 : memref<!tpu.dma_semaphore, #tpu.memory_space<semaphore_mem>>)
      %broadcast_in_dim3A_227 = arith.constant 0.000000e+00 : f32
      %broadcast_in_dim3A_228 = vector.broadcast %broadcast_in_dim3A_227 : f32 to vector<16xf32>
      %scan3A_229 = arith.constant 0 : i32
      %scan3A_230 = arith.constant 50 : i32
      %scan3A_231 = arith.addi %scan3A_229, %scan3A_230 : i32
      %scan3A_232 = arith.constant 1 : i32
      %scan3A_233:4 = scf.for %scan3A_253 = %scan3A_229 to %scan3A_231 step %scan3A_232 iter_args(%scan3A_254 = %broadcast_in_dim3A_228, %scan3A_255 = %broadcast_in_dim3A_228, %scan3A_256 = %broadcast_in_dim3A_228, %scan3A_257 = %broadcast_in_dim3A_228) -> (vector<16xf32>, vector<16xf32>, vector<16xf32>, vector<16xf32>)  : i32 {
        %mul3A_258 = arith.constant 8 : i32
        %mul3A_259 = arith.muli %scan3A_253, %mul3A_258 : i32
        %add3A_260 = arith.constant 0 : i32
        %add3A_261 = arith.addi %mul3A_259, %add3A_260 : i32
        %get3A = arith.constant 1 : i32
        %get3A_262 = arith.index_cast %get3A : i32 to index
        %get3A_263 = arith.index_cast %add3A_261 : i32 to index
        %get3A_264 = arith.constant 0 : index
        %get3A_265 = tpu.vector_load %arg6[%get3A_262, %get3A_263, %get3A_264] {strides = array<i32>} : memref<2x400x32xf32, #tpu.memory_space<vmem>>, vector<1x1x16xf32>,
        %get3A_266 = vector.shape_cast %get3A_265 : vector<1x1x16xf32> to vector<16xf32>
        %add3A_267 = arith.constant 0 : i32
        %add3A_268 = arith.addi %mul3A_259, %add3A_267 : i32
        %get3A_269 = arith.constant 1 : i32
        %get3A_270 = arith.index_cast %get3A_269 : i32 to index
        %get3A_271 = arith.index_cast %add3A_268 : i32 to index
        %get3A_272 = arith.constant 16 : index
        %get3A_273 = tpu.vector_load %arg6[%get3A_270, %get3A_271, %get3A_272] {strides = array<i32>} : memref<2x400x32xf32, #tpu.memory_space<vmem>>, vector<1x1x16xf32>,
        %get3A_274 = vector.shape_cast %get3A_273 : vector<1x1x16xf32> to vector<16xf32>
        %add3A_275 = arith.addf %scan3A_254, %get3A_266 : vector<16xf32>
        %add3A_276 = arith.addf %scan3A_256, %get3A_274 : vector<16xf32>
        %add3A_277 = arith.constant 1 : i32
        %add3A_278 = arith.addi %mul3A_259, %add3A_277 : i32
        %get3A_279 = arith.constant 1 : i32
        %get3A_280 = arith.index_cast %get3A_279 : i32 to index
        %get3A_281 = arith.index_cast %add3A_278 : i32 to index
        %get3A_282 = arith.constant 0 : index
        %get3A_283 = tpu.vector_load %arg6[%get3A_280, %get3A_281, %get3A_282] {strides = array<i32>} : memref<2x400x32xf32, #tpu.memory_space<vmem>>, vector<1x1x16xf32>,
        %get3A_284 = vector.shape_cast %get3A_283 : vector<1x1x16xf32> to vector<16xf32>
        %add3A_285 = arith.constant 1 : i32
        %add3A_286 = arith.addi %mul3A_259, %add3A_285 : i32
        %get3A_287 = arith.constant 1 : i32
        %get3A_288 = arith.index_cast %get3A_287 : i32 to index
        %get3A_289 = arith.index_cast %add3A_286 : i32 to index
        %get3A_290 = arith.constant 16 : index
        %get3A_291 = tpu.vector_load %arg6[%get3A_288, %get3A_289, %get3A_290] {strides = array<i32>} : memref<2x400x32xf32, #tpu.memory_space<vmem>>, vector<1x1x16xf32>,
        %get3A_292 = vector.shape_cast %get3A_291 : vector<1x1x16xf32> to vector<16xf32>
        %add3A_293 = arith.addf %scan3A_255, %get3A_284 : vector<16xf32>
        %add3A_294 = arith.addf %scan3A_257, %get3A_292 : vector<16xf32>
        %add3A_295 = arith.constant 2 : i32
        %add3A_296 = arith.addi %mul3A_259, %add3A_295 : i32
        %get3A_297 = arith.constant 1 : i32
        %get3A_298 = arith.index_cast %get3A_297 : i32 to index
        %get3A_299 = arith.index_cast %add3A_296 : i32 to index
        %get3A_300 = arith.constant 0 : index
        %get3A_301 = tpu.vector_load %arg6[%get3A_298, %get3A_299, %get3A_300] {strides = array<i32>} : memref<2x400x32xf32, #tpu.memory_space<vmem>>, vector<1x1x16xf32>,
        %get3A_302 = vector.shape_cast %get3A_301 : vector<1x1x16xf32> to vector<16xf32>
        %add3A_303 = arith.constant 2 : i32
        %add3A_304 = arith.addi %mul3A_259, %add3A_303 : i32
        %get3A_305 = arith.constant 1 : i32
        %get3A_306 = arith.index_cast %get3A_305 : i32 to index
        %get3A_307 = arith.index_cast %add3A_304 : i32 to index
        %get3A_308 = arith.constant 16 : index
        %get3A_309 = tpu.vector_load %arg6[%get3A_306, %get3A_307, %get3A_308] {strides = array<i32>} : memref<2x400x32xf32, #tpu.memory_space<vmem>>, vector<1x1x16xf32>,
        %get3A_310 = vector.shape_cast %get3A_309 : vector<1x1x16xf32> to vector<16xf32>
        %add3A_311 = arith.addf %add3A_275, %get3A_302 : vector<16xf32>
        %add3A_312 = arith.addf %add3A_276, %get3A_310 : vector<16xf32>
        %add3A_313 = arith.constant 3 : i32
        %add3A_314 = arith.addi %mul3A_259, %add3A_313 : i32
        %get3A_315 = arith.constant 1 : i32
        %get3A_316 = arith.index_cast %get3A_315 : i32 to index
        %get3A_317 = arith.index_cast %add3A_314 : i32 to index
        %get3A_318 = arith.constant 0 : index
        %get3A_319 = tpu.vector_load %arg6[%get3A_316, %get3A_317, %get3A_318] {strides = array<i32>} : memref<2x400x32xf32, #tpu.memory_space<vmem>>, vector<1x1x16xf32>,
        %get3A_320 = vector.shape_cast %get3A_319 : vector<1x1x16xf32> to vector<16xf32>
        %add3A_321 = arith.constant 3 : i32
        %add3A_322 = arith.addi %mul3A_259, %add3A_321 : i32
        %get3A_323 = arith.constant 1 : i32
        %get3A_324 = arith.index_cast %get3A_323 : i32 to index
        %get3A_325 = arith.index_cast %add3A_322 : i32 to index
        %get3A_326 = arith.constant 16 : index
        %get3A_327 = tpu.vector_load %arg6[%get3A_324, %get3A_325, %get3A_326] {strides = array<i32>} : memref<2x400x32xf32, #tpu.memory_space<vmem>>, vector<1x1x16xf32>,
        %get3A_328 = vector.shape_cast %get3A_327 : vector<1x1x16xf32> to vector<16xf32>
        %add3A_329 = arith.addf %add3A_293, %get3A_320 : vector<16xf32>
        %add3A_330 = arith.addf %add3A_294, %get3A_328 : vector<16xf32>
        %add3A_331 = arith.constant 4 : i32
        %add3A_332 = arith.addi %mul3A_259, %add3A_331 : i32
        %get3A_333 = arith.constant 1 : i32
        %get3A_334 = arith.index_cast %get3A_333 : i32 to index
        %get3A_335 = arith.index_cast %add3A_332 : i32 to index
        %get3A_336 = arith.constant 0 : index
        %get3A_337 = tpu.vector_load %arg6[%get3A_334, %get3A_335, %get3A_336] {strides = array<i32>} : memref<2x400x32xf32, #tpu.memory_space<vmem>>, vector<1x1x16xf32>,
        %get3A_338 = vector.shape_cast %get3A_337 : vector<1x1x16xf32> to vector<16xf32>
        %add3A_339 = arith.constant 4 : i32
        %add3A_340 = arith.addi %mul3A_259, %add3A_339 : i32
        %get3A_341 = arith.constant 1 : i32
        %get3A_342 = arith.index_cast %get3A_341 : i32 to index
        %get3A_343 = arith.index_cast %add3A_340 : i32 to index
        %get3A_344 = arith.constant 16 : index
        %get3A_345 = tpu.vector_load %arg6[%get3A_342, %get3A_343, %get3A_344] {strides = array<i32>} : memref<2x400x32xf32, #tpu.memory_space<vmem>>, vector<1x1x16xf32>,
        %get3A_346 = vector.shape_cast %get3A_345 : vector<1x1x16xf32> to vector<16xf32>
        %add3A_347 = arith.addf %add3A_311, %get3A_338 : vector<16xf32>
        %add3A_348 = arith.addf %add3A_312, %get3A_346 : vector<16xf32>
        %add3A_349 = arith.constant 5 : i32
        %add3A_350 = arith.addi %mul3A_259, %add3A_349 : i32
        %get3A_351 = arith.constant 1 : i32
        %get3A_352 = arith.index_cast %get3A_351 : i32 to index
        %get3A_353 = arith.index_cast %add3A_350 : i32 to index
        %get3A_354 = arith.constant 0 : index
        %get3A_355 = tpu.vector_load %arg6[%get3A_352, %get3A_353, %get3A_354] {strides = array<i32>} : memref<2x400x32xf32, #tpu.memory_space<vmem>>, vector<1x1x16xf32>,
        %get3A_356 = vector.shape_cast %get3A_355 : vector<1x1x16xf32> to vector<16xf32>
        %add3A_357 = arith.constant 5 : i32
        %add3A_358 = arith.addi %mul3A_259, %add3A_357 : i32
        %get3A_359 = arith.constant 1 : i32
        %get3A_360 = arith.index_cast %get3A_359 : i32 to index
        %get3A_361 = arith.index_cast %add3A_358 : i32 to index
        %get3A_362 = arith.constant 16 : index
        %get3A_363 = tpu.vector_load %arg6[%get3A_360, %get3A_361, %get3A_362] {strides = array<i32>} : memref<2x400x32xf32, #tpu.memory_space<vmem>>, vector<1x1x16xf32>,
        %get3A_364 = vector.shape_cast %get3A_363 : vector<1x1x16xf32> to vector<16xf32>
        %add3A_365 = arith.addf %add3A_329, %get3A_356 : vector<16xf32>
        %add3A_366 = arith.addf %add3A_330, %get3A_364 : vector<16xf32>
        %add3A_367 = arith.constant 6 : i32
        %add3A_368 = arith.addi %mul3A_259, %add3A_367 : i32
        %get3A_369 = arith.constant 1 : i32
        %get3A_370 = arith.index_cast %get3A_369 : i32 to index
        %get3A_371 = arith.index_cast %add3A_368 : i32 to index
        %get3A_372 = arith.constant 0 : index
        %get3A_373 = tpu.vector_load %arg6[%get3A_370, %get3A_371, %get3A_372] {strides = array<i32>} : memref<2x400x32xf32, #tpu.memory_space<vmem>>, vector<1x1x16xf32>,
        %get3A_374 = vector.shape_cast %get3A_373 : vector<1x1x16xf32> to vector<16xf32>
        %add3A_375 = arith.constant 6 : i32
        %add3A_376 = arith.addi %mul3A_259, %add3A_375 : i32
        %get3A_377 = arith.constant 1 : i32
        %get3A_378 = arith.index_cast %get3A_377 : i32 to index
        %get3A_379 = arith.index_cast %add3A_376 : i32 to index
        %get3A_380 = arith.constant 16 : index
        %get3A_381 = tpu.vector_load %arg6[%get3A_378, %get3A_379, %get3A_380] {strides = array<i32>} : memref<2x400x32xf32, #tpu.memory_space<vmem>>, vector<1x1x16xf32>,
        %get3A_382 = vector.shape_cast %get3A_381 : vector<1x1x16xf32> to vector<16xf32>
        %add3A_383 = arith.addf %add3A_347, %get3A_374 : vector<16xf32>
        %add3A_384 = arith.addf %add3A_348, %get3A_382 : vector<16xf32>
        %add3A_385 = arith.constant 7 : i32
        %add3A_386 = arith.addi %mul3A_259, %add3A_385 : i32
        %get3A_387 = arith.constant 1 : i32
        %get3A_388 = arith.index_cast %get3A_387 : i32 to index
        %get3A_389 = arith.index_cast %add3A_386 : i32 to index
        %get3A_390 = arith.constant 0 : index
        %get3A_391 = tpu.vector_load %arg6[%get3A_388, %get3A_389, %get3A_390] {strides = array<i32>} : memref<2x400x32xf32, #tpu.memory_space<vmem>>, vector<1x1x16xf32>,
        %get3A_392 = vector.shape_cast %get3A_391 : vector<1x1x16xf32> to vector<16xf32>
        %add3A_393 = arith.constant 7 : i32
        %add3A_394 = arith.addi %mul3A_259, %add3A_393 : i32
        %get3A_395 = arith.constant 1 : i32
        %get3A_396 = arith.index_cast %get3A_395 : i32 to index
        %get3A_397 = arith.index_cast %add3A_394 : i32 to index
        %get3A_398 = arith.constant 16 : index
        %get3A_399 = tpu.vector_load %arg6[%get3A_396, %get3A_397, %get3A_398] {strides = array<i32>} : memref<2x400x32xf32, #tpu.memory_space<vmem>>, vector<1x1x16xf32>,
        %get3A_400 = vector.shape_cast %get3A_399 : vector<1x1x16xf32> to vector<16xf32>
        %add3A_401 = arith.addf %add3A_365, %get3A_392 : vector<16xf32>
        %add3A_402 = arith.addf %add3A_366, %get3A_400 : vector<16xf32>
        scf.yield %add3A_383, %add3A_401, %add3A_384, %add3A_402 : vector<16xf32>, vector<16xf32>, vector<16xf32>, vector<16xf32>
      }
      %scan3A_234 = arith.constant 50 : i32
      %add3A_235 = arith.addf %scan3A_233#0, %scan3A_233#1 : vector<16xf32>
      %mul3A_236 = arith.constant 5.000000e-02 : f32
      %mul3A_237 = vector.broadcast %mul3A_236 : f32 to vector<16xf32>
      %mul3A_238 = arith.mulf %add3A_235, %mul3A_237 : vector<16xf32>
      %swap3A_239 = arith.index_cast %add3A_163 : i32 to index
      %swap3A_240 = arith.constant 0 : index
      %swap3A_241 = tpu.vector_load %arg7[%swap3A_239, %swap3A_240] {strides = array<i32>} : memref<128x32xf32, #tpu.memory_space<vmem>>, vector<1x16xf32>,
      %swap3A_242 = vector.shape_cast %swap3A_241 : vector<1x16xf32> to vector<16xf32>
      %swap3A_243 = vector.shape_cast %mul3A_238 : vector<16xf32> to vector<1x16xf32>
      tpu.vector_store %arg7[%swap3A_239, %swap3A_240], %swap3A_243 {strides = array<i32>} : memref<128x32xf32, #tpu.memory_space<vmem>>, vector<1x16xf32>,
      %add3A_244 = arith.addf %scan3A_233#2, %scan3A_233#3 : vector<16xf32>
      %mul3A_245 = arith.constant 5.000000e-02 : f32
      %mul3A_246 = vector.broadcast %mul3A_245 : f32 to vector<16xf32>
      %mul3A_247 = arith.mulf %add3A_244, %mul3A_246 : vector<16xf32>
      %swap3A_248 = arith.index_cast %add3A_163 : i32 to index
      %swap3A_249 = arith.constant 16 : index
      %swap3A_250 = tpu.vector_load %arg7[%swap3A_248, %swap3A_249] {strides = array<i32>} : memref<128x32xf32, #tpu.memory_space<vmem>>, vector<1x16xf32>,
      %swap3A_251 = vector.shape_cast %swap3A_250 : vector<1x16xf32> to vector<16xf32>
      %swap3A_252 = vector.shape_cast %mul3A_247 : vector<16xf32> to vector<1x16xf32>
      tpu.vector_store %arg7[%swap3A_248, %swap3A_249], %swap3A_252 {strides = array<i32>} : memref<128x32xf32, #tpu.memory_space<vmem>>, vector<1x16xf32>,
    }
    %scan3A_54 = arith.constant 64 : i32
    %dma_wait3A = arith.constant 0 : i32
    %dma_wait3A_55 = arith.constant 0 : i32
    %dma_wait3A_56 = arith.constant 0 : i32
    %dma_wait3A_57 = tpu.memref_slice %arg6[%dma_wait3A, %dma_wait3A_55, %dma_wait3A_56] : memref<2x400x32xf32, #tpu.memory_space<vmem>> -> memref<1x400x32xf32, #tpu.memory_space<vmem>>
    %dma_wait3A_58 = tpu.memref_squeeze %dma_wait3A_57 : memref<1x400x32xf32, #tpu.memory_space<vmem>> -> memref<400x32xf32, #tpu.memory_space<vmem>>
    %dma_wait3A_59 = arith.constant 0 : i32
    %dma_wait3A_60 = arith.constant 0 : i32
    %dma_wait3A_61 = tpu.memref_slice %arg3[%dma_wait3A_59, %dma_wait3A_60] : memref<1000000x32xf32, #tpu.memory_space<hbm>> -> memref<400x32xf32, #tpu.memory_space<hbm>>
    %dma_wait3A_62 = arith.constant 0 : i32
    %dma_wait3A_63 = arith.constant 0 : i32
    %dma_wait3A_64 = tpu.memref_slice %arg6[%dma_wait3A, %dma_wait3A_62, %dma_wait3A_63] : memref<2x400x32xf32, #tpu.memory_space<vmem>> -> memref<1x400x32xf32, #tpu.memory_space<vmem>>
    %dma_wait3A_65 = tpu.memref_squeeze %dma_wait3A_64 : memref<1x400x32xf32, #tpu.memory_space<vmem>> -> memref<400x32xf32, #tpu.memory_space<vmem>>
    %dma_wait3A_66 = arith.constant 0 : i32
    %dma_wait3A_67 = arith.constant 0 : i32
    %dma_wait3A_68 = tpu.memref_slice %arg3[%dma_wait3A_66, %dma_wait3A_67] : memref<1000000x32xf32, #tpu.memory_space<hbm>> -> memref<400x32xf32, #tpu.memory_space<hbm>>
    tpu.wait_dma2 semaphore(%arg8 : memref<!tpu.dma_semaphore, #tpu.memory_space<semaphore_mem>>) src(%dma_wait3A_68 : memref<400x32xf32, #tpu.memory_space<hbm>>) dst(%dma_wait3A_65 : memref<400x32xf32, #tpu.memory_space<vmem>>)
    "tpu.region"() ({
      %run_scoped3A = tpu.sem_alloc : memref<!tpu.dma_semaphore, #tpu.memory_space<semaphore_mem>>
      %dma_start3A_69 = arith.constant 0 : i32
      %dma_start3A_70 = tpu.memref_slice %arg4[%mul3A_2, %dma_start3A_69] : memref<4096x32xf32, #tpu.memory_space<hbm>> -> memref<128x32xf32, #tpu.memory_space<hbm>>
      %dma_start3A_71 = arith.constant 0 : i32
      %dma_start3A_72 = tpu.memref_slice %arg4[%mul3A_2, %dma_start3A_71] : memref<4096x32xf32, #tpu.memory_space<hbm>> -> memref<128x32xf32, #tpu.memory_space<hbm>>
      tpu.enqueue_dma source(%arg7 : memref<128x32xf32, #tpu.memory_space<vmem>>) target(%dma_start3A_72 : memref<128x32xf32, #tpu.memory_space<hbm>>) target_semaphore(%run_scoped3A : memref<!tpu.dma_semaphore, #tpu.memory_space<semaphore_mem>>)
      %dma_wait3A_73 = arith.constant 0 : i32
      %dma_wait3A_74 = tpu.memref_slice %arg4[%mul3A_2, %dma_wait3A_73] : memref<4096x32xf32, #tpu.memory_space<hbm>> -> memref<128x32xf32, #tpu.memory_space<hbm>>
      %dma_wait3A_75 = arith.constant 0 : i32
      %dma_wait3A_76 = tpu.memref_slice %arg4[%mul3A_2, %dma_wait3A_75] : memref<4096x32xf32, #tpu.memory_space<hbm>> -> memref<128x32xf32, #tpu.memory_space<hbm>>
      tpu.wait_dma2 semaphore(%run_scoped3A : memref<!tpu.dma_semaphore, #tpu.memory_space<semaphore_mem>>) src(%arg7 : memref<128x32xf32, #tpu.memory_space<vmem>>) dst(%dma_wait3A_76 : memref<128x32xf32, #tpu.memory_space<hbm>>)
      tpu.yield
    }) : () -> ()
    return
  }
}

</mosaic_0001>

<sc_bundles>
// kernel: _walk_aggregate.3.cloned.1.call-start
scs
__scs_entry_jumppad:
0x0: {  	(pc) =	sbr.rel $0x88, $3  }
0x1: {  	(tag) =	ssettag $0x0;
	lr =	simm.s32 $0x1  }
0x2: {  	[smem:$0x3F9F] =	sst lr;
	_ =	strace $0xD0000000  }
0x3: {  	_ = 	snop  }
0x4: {  	_ = 	snop  }
0x5: {  	_ = 	snop  }
0x6: {  	_ = 	snop  }
0x7: {  	_ = 	snop  }
__scs_overlays_trampoline_lowered:
0x8: {  	[smem:$0x3FAE] =	sst s0  }
0x9: {  	[smem:$0x3FAF] =	sst s1  }
0xa: {  	[smem:$0x3FB0] =	sst s2  }
0xb: {  	[smem:$0x3FB1] =	sst s3  }
0xc: {  	[smem:$0x3FB2] =	sst s4  }
0xd: {  	[smem:$0x3FB3] =	sst s5  }
0xe: {  	[smem:$0x3FB4] =	sst s6  }
0xf: {  	[smem:$0x3FB5] =	sst s7  }
0x10: {  	[smem:$0x3FB6] =	sst s8  }
0x11: {  	[smem:$0x3FB7] =	sst s9;
	s0 =	simm.s32 @!p0 $0x0  }
0x12: {  	s1 =	sld [smem:$0x3F9D];
	s0 =	simm.s32 @p0 $0x1  }
0x13: {  	[smem:$0x3FB8] =	sst s0;
	s0 =	simm.s32 @!p1 $0x0  }
0x14: {  	s2 =	sld [smem:$0x3F9C];
	s0 =	simm.s32 @p1 $0x1  }
0x15: {  	[smem:$0x3FB9] =	sst s0;
	s0 =	simm.s32 @!p2 $0x0  }
0x16: {  	s3 =	sld [smem:$0x3FDB];
	s0 =	simm.s32 @p2 $0x1  }
0x17: {  	s4 =	simm.s32 $0x1BF5;
	[smem:$0x3FBB] =	sst s0  }
0x18: {  	s0 =	sld [smem:$0x3F9E];
	_ =	swait.ge [sflag:s4], $0x0  }
0x19: {  	s7 =	sld [smem:$0x3F9F]  }
0x1a: {  	s8 =	sadd.s32 $0xFFFFE003, lr  }
0x1b: {  	s9 =	sadd.s32 $0xFFFFFEF7, lr;
	s5 =	simm.s32 $0xFFFFFFFF;
	p2 =	slt.u32 s8, $0xFFFFF086  }
0x1c: {  	p1 =	slt.u32 s9, $0xF7A;
	s5 =	simm.s32 @!p2 $0x0  }
0x1d: {  	s5 =	simm.s32 @p1 $0x1;
	p0 =	seq.s32 s7, s2  }
0x1e: {  	s7 =	smul.u32 @!p0 $0xF7A, s2;
	p2 =	seq.s32 @!p0 s5, $0x0  }
0x1f: {  	s9 =	smul.u32 $0xF7A, s1;
	s8 =	simm.s32 @!p0 $0x1BF5;
	p2 =	por !p2, p0  }
0x20: {  	[sflag:s8] =	ssyncset.s32 @!p0 $0xFFFFF086;
	s6 =	sadd.s32 @!p0 s3, s7;
	s7 =	simm.s32 @!p0 $0x108  }
0x21: {  	s3 =	sadd.s32 s3, s9;
	s6 =	sadd.s32 @!p0 $0x88, s6;
	s7 =	simm.s32 @p2 $0x1082  }
0x22: {  	[simem:s7], [sflag:s8] =	dma.local @!p0 [hbm:s6], $0xF7A  }
0x23: {  	s9 =	sor.u32 $0xD0000000, s2;
	s6 =	simm.s32 $0x108;
	_ =	swait.ge @!p0 [sflag:s8], $0x0  }
0x24: {  	s3 =	sadd.s32 $0x88, s3;
	s6 =	simm.s32 @!p1 $0x1082;
	[sflag:s4] =	ssyncset.s32 $0xFFFFF086  }
0x25: {  	[simem:s6], [sflag:s4] =	dma.local [hbm:s3], $0xF7A  }
0x26: {  	[smem:$0x3F9F] =	sst s1;
	(tag) =	ssettag s2;
	_ =	strace s9  }
0x27: {  	s1 =	sld [smem:$0x3FAF]  }
0x28: {  	s2 =	sld [smem:$0x3FB0]  }
0x29: {  	s4 =	sld [smem:$0x3FB2]  }
0x2a: {  	p0 =	seq.s32 s5, $0x0;
	s5 =	sld [smem:$0x3FB3]  }
0x2b: {  	s6 =	sld [smem:$0x3FB4]  }
0x2c: {  	s7 =	sld [smem:$0x3FB5]  }
0x2d: {  	s3 =	simm.s32 $0x108;
	s8 =	sld [smem:$0x3FB6]  }
0x2e: {  	s3 =	simm.s32 @!p0 $0x1082;
	s9 =	sld [smem:$0x3FB7]  }
0x2f: {  	lr =	sadd.s32 s0, s3;
	s0 =	sld [smem:$0x3FAE]  }
0x30: {  	s3 =	sld [smem:$0x3FB1]  }
0x31: {  	[smem:$0x3FBA] =	sst s10  }
0x32: {  	s10 =	sld [smem:$0x3FB8];
	_ =	sdelay $0x3  }
0x33: {  	p0 =	seq.s32 s10, $0x1;
	s10 =	sld [smem:$0x3FBA];
	_ =	sdelay $0x3  }
0x34: {  	[smem:$0x3FBA] =	sst s10  }
0x35: {  	s10 =	sld [smem:$0x3FB9];
	_ =	sdelay $0x3  }
0x36: {  	p1 =	seq.s32 s10, $0x1;
	s10 =	sld [smem:$0x3FBA];
	_ =	sdelay $0x3  }
0x37: {  	[smem:$0x3FBA] =	sst s10  }
0x38: {  	s10 =	sld [smem:$0x3FBB]  }
0x39: {  	_ = 	snop;
	(pc) =	sbr.ind lr, $3  }
0x3a: {  	_ = 	snop  }
0x3b: {  	_ = 	snop  }
0x3c: {  	p2 =	seq.s32 s10, $0x1;
	s10 =	sld [smem:$0x3FBA]  }
0x3d: {  	_ =	shalt  }
0x3e: {  	_ =	shalt  }
0x3f: {  	_ =	shalt  }
0x40: {  	_ =	shalt  }
0x41: {  	_ =	shalt  }
0x42: {  	_ =	shalt  }
0x43: {  	_ =	shalt  }
0x44: {  	_ =	shalt  }
0x45: {  	_ =	shalt  }
0x46: {  	_ =	shalt  }
0x47: {  	_ =	shalt  }
0x48: {  	_ =	shalt  }
0x49: {  	_ =	shalt  }
0x4a: {  	_ =	shalt  }
0x4b: {  	_ =	shalt  }
0x4c: {  	_ =	shalt  }
0x4d: {  	_ =	shalt  }
0x4e: {  	_ =	shalt  }
0x4f: {  	_ =	shalt  }
0x50: {  	_ =	shalt  }
0x51: {  	_ =	shalt  }
0x52: {  	_ =	shalt  }
0x53: {  	_ =	shalt  }
0x54: {  	_ =	shalt  }
0x55: {  	_ =	shalt  }
0x56: {  	_ =	shalt  }
0x57: {  	_ =	shalt  }
0x58: {  	_ =	shalt  }
0x59: {  	_ =	shalt  }
0x5a: {  	_ =	shalt  }
0x5b: {  	_ =	shalt  }
0x5c: {  	_ =	shalt  }
0x5d: {  	_ =	shalt  }
0x5e: {  	_ =	shalt  }
0x5f: {  	_ =	shalt  }
0x60: {  	_ =	shalt  }
0x61: {  	_ =	shalt  }
0x62: {  	_ =	shalt  }
0x63: {  	_ =	shalt  }
0x64: {  	_ =	shalt  }
0x65: {  	_ =	shalt  }
0x66: {  	_ =	shalt  }
0x67: {  	_ =	shalt  }
0x68: {  	_ =	shalt  }
0x69: {  	_ =	shalt  }
0x6a: {  	_ =	shalt  }
0x6b: {  	_ =	shalt  }
0x6c: {  	_ =	shalt  }
0x6d: {  	_ =	shalt  }
0x6e: {  	_ =	shalt  }
0x6f: {  	_ =	shalt  }
0x70: {  	_ =	shalt  }
0x71: {  	_ =	shalt  }
0x72: {  	_ =	shalt  }
0x73: {  	_ =	shalt  }
0x74: {  	_ =	shalt  }
0x75: {  	_ =	shalt  }
0x76: {  	_ =	shalt  }
0x77: {  	_ =	shalt  }
0x78: {  	_ =	shalt  }
0x79: {  	_ =	shalt  }
0x7a: {  	_ =	shalt  }
0x7b: {  	_ =	shalt  }
0x7c: {  	_ =	shalt  }
0x7d: {  	_ =	shalt  }
0x7e: {  	_ =	shalt  }
0x7f: {  	_ =	shalt  }
0x80: {  	_ =	shalt  }
0x81: {  	_ =	shalt  }
0x82: {  	_ =	shalt  }
0x83: {  	_ =	shalt  }
0x84: {  	_ =	shalt  }
0x85: {  	_ =	shalt  }
0x86: {  	_ =	shalt  }
0x87: {  	_ =	shalt  }
.Lfunc_end0:
.L_simem_size_0:
called_computation_lowered:
.L_overlay_start_0:
0x88: {  	s2 =	sld [smem:$0x3FD9]  }
0x89: {  	s3 =	sld [smem:$0x3FFE];
	_ =	sdelay $0x1  }
0x8a: {  	s1 =	srdreg.scid  }
0x8b: {  	s0 =	sand.u32 $0x1, s1  }
0x8c: {  	s17 =	sshll.u32 s0, $0xA;
	s2 =	sadd.s32 s3, s2  }
0x8d: {  	s2 =	sadd.s32 s2, s17  }
0x8e: {  	[smem:$0x3FC6] =	sst s2  }
0x8f: {  	_ = 	snop  }
0x90: {  	s2 =	sld [smem:$0x3FD0];
	(tm) =	ssettm $0x1  }
0x91: {  	s18 =	sld [smem:$0x3FFB];
	_ =	sdelay $0x3  }
0x92: {  	_ =	strace s18  }
0x93: {  	s3 =	sld [smem:$0x3FFC];
	_ =	sdelay $0x3  }
0x94: {  	_ =	strace s3  }
0x95: {  	s3 =	sld [smem:$0x3FFD];
	_ =	sdelay $0x3  }
0x96: {  	_ =	strace s3  }
0x97: {  	_ =	strace $0x8FFFFFFF  }
0x98: {  	s19 =	sld [smem:$0x3FDB];
	_ =	sdelay $0x1  }
0x99: {  	s4 =	simm.s32 $_scs_section_size  }
0x9a: {  	s5 =	simm.s32 $_size__tile_overlayer_lowered;
	s6 =	simm.s32 $_tile_overlayer_lowered  }
0x9b: {  	s22 =	simm.s32 $0x1BFF;
	s21 =	sshll.u32 s6, $0x1;
	s3 =	sadd.s32 s4, s19  }
0x9c: {  	s7 =	simm.s32 $0x0;
	s20 =	sshll.u32 s5, $0x1;
	s5 =	sadd.s32 s21, s3  }
0x9d: {  	[timem:s7], [sflag:s22] =	dma.local [hbm:s5], s20  }
0x9e: {  	_ =	swait.ge [sflag:s22], s20  }
0x9f: {  	s4 =	ssub.s32 $0x0, s20;
	[sflag:s22] =	ssyncset.done $0x0  }
0xa0: {  	[sflag:s22] =	ssyncadd.s32 s4;
	_ =	sdelay $0x1  }
0xa1: {  	s23 =	simm.s32 $0x1B8B  }
0xa2: {  	_ =	swait.ge [sflag:s23], $0x1  }
0xa3: {  	[sflag:s23] =	ssyncset.done $0x0  }
0xa4: {  	s25 =	simm.s32 $0x1B8E;
	s24 =	sld [smem:$0x3FFE];
	[sflag:s23] =	ssyncadd.s32 $0xFFFFFFFF  }
0xa5: {  	s26 =	simm.s32 $execute0_lowered;
	[smem:$0x3FD2] =	sst s25  }
0xa6: {  	s5 =	sshll.u32 s26, $0x1;
	_ =	strace $0x80000046;
	[dreg:$0x1] =	wrdreg $0xFFFFFFFF  }
0xa7: {  	s28 =	simm.s32 $_size_execute0_lowered;
	s3 =	sadd.s32 s3, s5;
	[dreg:$0x0] =	wrdreg $0x0  }
0xa8: {  	s5 =	sshll.u32 s28, $0x1;
	[dreg:$0x2] =	wrdreg s3  }
0xa9: {  	[dreg:$0x3] =	wrdreg s5  }
0xaa: {  	[dreg:$0x4] =	wrdreg $0xC0  }
0xab: {  	_ =	task [dreg:s7], $0x5FFFF  }
0xac: {  	[dreg:$0x1] =	wrdreg $0xFFFFFFFF  }
0xad: {  	[dreg:$0x0] =	wrdreg $0x60  }
0xae: {  	[dreg:$0x2] =	wrdreg s24  }
0xaf: {  	[dreg:$0x3] =	wrdreg s2  }
0xb0: {  	[dreg:$0x4] =	wrdreg $0x9  }
0xb1: {  	_ =	task.clear_ibuf [dreg:s7], $0x5FFFF;
	_ =	strace $0x90000046  }
0xb2: {  	s29 =	simm.s32 $0x9;
	_ =	strace $0x80000048  }
0xb3: {  	_ =	swait.ge [sflag:s29], $0x1  }
0xb4: {  	[sflag:s29] =	ssyncadd.s32 $0xFFFFFFFF  }
0xb5: {  	_ =	strace $0x90000048  }
0xb6: {  	_ =	sfence  }
0xb7: {  	s30 =	sld [smem:$0x0];
	_ =	sdelay $0x2  }
0xb8: {  	s31 =	sshll.u32 s1, $0xD;
	s1 =	sshrl.u32 s1, $0x2  }
0xb9: {  	s3 =	sand.u32 $0x4000, s31;
	s1 =	sadd.s32 s1, s30  }
0xba: {  	s0 =	sor.u32 s3, s0;
	s1 =	sshll.u32 s1, $0x11  }
0xbb: {  	s0 =	sor.u32 s1, s0  }
0xbc: {  	s0 =	sadd.s32 $0x8F2B, s0  }
0xbd: {  	[sflag:s0] =	ssyncadd.remote.s32 $0x1  }
0xbe: {  	_ =	sfence.sel $0xFFFF  }
0xbf: {  	[dreg:$0x0] =	wrdreg $0xFFFFFFFF;
	(pc) =	sbr.abs _section_cstart, $3  }
0xc0: {  	[dreg:$0x1] =	wrdreg $0xFFFFFFFF  }
0xc1: {  	_ =	task.clear_ibuf [dreg:s7], $0x2FFFF;
	_ =	strace $0x9FFFFFFF  }
0xc2: {  	(tm) =	ssettm $0x7FFFFFFF  }
0xc3: {  	_ =	shalt  }
tec
execute0_lowered:
.L_overlay_start_1:
0x0: {  	(tag) =	ssettag $0x1  }
0x1: {  	s1 =	srdreg.scid  }
0x2: {  	s0 =	stileid.u32;
	s4 =	rddreg [dreg:$0x0]  }
0x3: {  	s5 =	rddreg [dreg:$0x1];
	s9 =	simm.s32 $0xC800;
	s10 =	simm.s32 $0xD800  }
0x4: {  	s11 =	simm.s32 $0x100;
	s12 =	simm.s32 $0xE800;
	s13 =	simm.s32 $0x10  }
0x5: {  	s14 =	simm.s32 $0x180;
	s15 =	simm.s32 $0xF800;
	s16 =	simm.s32 $0x1  }
0x6: {  	s17 =	simm.s32 $0xFA00;
	s18 =	simm.s32 $0x10A00;
	s19 =	simm.s32 $0x11A00  }
0x7: {  	s20 =	simm.s32 $0x12A00;
	s21 =	simm.s32 $0x2;
	s22 =	simm.s32 $0x12C00  }
0x8: {  	s23 =	simm.s32 $0x0;
	s3 =	sand.u32 $0x1, s1;
	s30 =	sshll.u32 s0, $0x8  }
0x9: {  	s1 =	rddreg [dreg:$0x2];
	s2 =	sshll.u32 s3, $0x7;
	s8 =	ssub.s32 $0x2, s3  }
0xa: {  	s3 =	sadd.s32 $0xF42A00, s4;
	s6 =	sor.u32 s2, s30;
	s2 =	simm.s32 $0x0  }
0xb: {  	s31 =	sshrl.u32 s8, $0x1;
	s7 =	smul.u32 $0x32, s6;
	[smem:$0x7FF] =	sst s2  }
0xc: {  	s6 =	sshll.u32 s6, $0x2;
	s8 =	ssub.s32 s8, s31;
	_ =	strace $0x80000047  }
0xd: {  	s5 =	sadd.s32 s5, s6;
	s6 =	smax.u32 s8, $0x1;
	s7 =	sadd.s32 s7, s4  }
0xe: {  	s8 =	simm.s32 $0x80;
	s4 =	sadd.s32 $0x600, s7;
	s7 =	simm.s32 $0x3  }
.LBB2_1:
0xf: {  	[tilespmem:s2], [sflag:$0x3] =	stream.linear.gather [hbm4b:s4+s2], $0xC800, $0x38;
	[tilespmem:$0x13C00] =	vst v63  }
0x10: {  	_ =	swait.ge [sflag:s7], $0xC800  }
0x11: {  	[sflag:s7] =	ssyncset.done $0x0  }
0x12: {  	[sflag:s7] =	ssyncadd.s32 $0xFFFF3800  }
0x13: {  	[tilespmem:s9], [sflag:$0x1] =	stream.indirect.gather [hbm4b:s3+s8], $0x20, s2, s8, $0xb8;
	[tilespmem:$0x13C00] =	vst v63  }
0x14: {  	_ = 	snop  }
0x15: {  	[tilespmem:s10], [sflag:$0x1] =	stream.indirect.gather [hbm4b:s3+s8], $0x20, s8, s8, $0xb8;
	[tilespmem:$0x13C00] =	vst v63  }
0x16: {  	_ = 	snop  }
0x17: {  	[tilespmem:s12], [sflag:$0x1] =	stream.indirect.gather [hbm4b:s3+s8], $0x20, s11, s8, $0xb8;
	[tilespmem:$0x13C00] =	vst v63  }
0x18: {  	s24 =	simm.s32 $0x0  }
0x19: {  	[tilespmem:s15], [sflag:$0x1] =	stream.indirect.gather [hbm4b:s3+s13], $0x20, s14, s13, $0xb8;
	[tilespmem:$0x13C00] =	vst v63  }
.LBB2_2:
0x1a: {  	s25 =	sshllo.u32 s24, $0x1  }
0x1b: {  	_ =	swait.ge [sflag:s16], $0x3200;
	s26 =	smul.u32 $0x640, s25  }
0x1c: {  	[sflag:s16] =	ssyncset.done $0x0  }
0x1d: {  	[sflag:s16] =	ssyncadd.s32 $0xFFFFCE00;
	s26 =	sshra.s32 s26, $0x2  }
0x1e: {  	[tilespmem:s17], [sflag:$0x2] =	stream.indirect.gather [hbm4b:s3+s8], $0x20, s26, s8, $0xb8;
	[tilespmem:$0x13C00] =	vst v63  }
0x1f: {  	s28 =	sadd.s32 $0x80, s26  }
0x20: {  	[tilespmem:s18], [sflag:$0x2] =	stream.indirect.gather [hbm4b:s3+s8], $0x20, s28, s8, $0xb8;
	[tilespmem:$0x13C00] =	vst v63  }
0x21: {  	s28 =	sadd.s32 $0x100, s26  }
0x22: {  	[tilespmem:s19], [sflag:$0x2] =	stream.indirect.gather [hbm4b:s3+s8], $0x20, s28, s8, $0xb8;
	[tilespmem:$0x13C00] =	vst v63  }
0x23: {  	s26 =	sadd.s32 $0x180, s26;
	s28 =	simm.s32 $0x0  }
0x24: {  	[tilespmem:s20], [sflag:$0x2] =	stream.indirect.gather [hbm4b:s3+s13], $0x20, s26, s13, $0xb8;
	[tilespmem:$0x13C00] =	vst v63  }
0x25: {  	v0 =	vld [tilespmem:s28+$0xC8C0]  }
0x26: {  	v1 =	vld [tilespmem:s28+$0xC8D0]  }
0x27: {  	v2 =	vld [tilespmem:s28+$0xC880]  }
0x28: {  	v3 =	vld [tilespmem:s28+$0xC890]  }
0x29: {  	v4 =	vld [tilespmem:s28+$0xC840]  }
0x2a: {  	v5 =	vld [tilespmem:s28+$0xC850]  }
0x2b: {  	v10 =	vld [tilespmem:s28+$0xC800]  }
0x2c: {  	v6 =	vimm.f32 $0.0e+00;
	v11 =	vld [tilespmem:s28+$0xC810]  }
0x2d: {  	s29 =	simm.s32 $0x400;
	v7 =	vimm.f32 $0.0e+00;
	v9 =	vimm.f32 $0.0e+00;
	v8 =	vimm.f32 $0.0e+00;
	s26 =	sshll.u32 s24, $0x1;
	v12 =	vld [tilespmem:s28+$0xC820]  }
.LBB2_3:
0x2e: {  	p0 =	sne.s32 s29, $0xC400;
	v13 =	vld [tilespmem:s28+$0xC830]  }
0x2f: {  	v14 =	vld [tilespmem:s28+$0xC860]  }
0x30: {  	v15 =	vld [tilespmem:s28+$0xC870]  }
0x31: {  	v16 =	vld [tilespmem:s28+$0xC8A0]  }
0x32: {  	v6 =	vadd.f32 v10, v6;
	v7 =	vadd.f32 v11, v7;
	v10 =	vld [tilespmem:s28+$0xC8B0]  }
0x33: {  	v9 =	vadd.f32 v12, v9;
	v8 =	vadd.f32 v13, v8;
	v11 =	vld [tilespmem:s28+$0xC8E0]  }
0x34: {  	v4 =	vadd.f32 v4, v6;
	v5 =	vadd.f32 v5, v7;
	v12 =	vld [tilespmem:s28+$0xC8F0];
	s28 =	sshra.s32 s29, $0x2  }
0x35: {  	v6 =	vadd.f32 v14, v9;
	v13 =	vld [tilespmem:s28+$0xC8C0];
	v7 =	vadd.f32 v15, v8  }
0x36: {  	v4 =	vadd.f32 v2, v4;
	v5 =	vadd.f32 v3, v5;
	v14 =	vld [tilespmem:s28+$0xC8D0]  }
0x37: {  	v8 =	vadd.f32 v16, v6;
	v2 =	vld [tilespmem:s28+$0xC880];
	v10 =	vadd.f32 v10, v7  }
0x38: {  	v6 =	vadd.f32 v0, v4;
	v7 =	vadd.f32 v1, v5;
	v3 =	vld [tilespmem:s28+$0xC890]  }
.Ltmp0:
0x39: {  	v9 =	vadd.f32 v11, v8;
	v4 =	vld [tilespmem:s28+$0xC840];
	v8 =	vadd.f32 v12, v10;
	(pc) =	sbr.rel @p0 .LBB2_3-.Ltmp0, $4  }
0x3a: {  	v5 =	vld [tilespmem:s28+$0xC850];
	v0 =	vmov v13  }
0x3b: {  	v10 =	vld [tilespmem:s28+$0xC800];
	v1 =	vmov v14  }
0x3c: {  	v11 =	vld [tilespmem:s28+$0xC810]  }
0x3d: {  	s29 =	sadd.s32 $0x400, s29;
	v12 =	vld [tilespmem:s28+$0xC820]  }
0x3e: {  	v13 =	vld [tilespmem:s28+$0xC830]  }
0x3f: {  	v14 =	vld [tilespmem:s28+$0xC860]  }
0x40: {  	v15 =	vld [tilespmem:s28+$0xC870]  }
0x41: {  	v16 =	vld [tilespmem:s28+$0xC8A0]  }
0x42: {  	v6 =	vadd.f32 v10, v6;
	v10 =	vld [tilespmem:s28+$0xC8B0];
	v9 =	vadd.f32 v12, v9  }
0x43: {  	v7 =	vadd.f32 v11, v7;
	v11 =	vld [tilespmem:s28+$0xC8E0];
	v8 =	vadd.f32 v13, v8  }
0x44: {  	v4 =	vadd.f32 v4, v6;
	v6 =	vld [tilespmem:s28+$0xC8F0];
	v9 =	vadd.f32 v14, v9  }
0x45: {  	v5 =	vadd.f32 v5, v7;
	v7 =	vadd.f32 v15, v8  }
0x46: {  	v2 =	vadd.f32 v2, v4;
	v4 =	vadd.f32 v16, v9  }
0x47: {  	v3 =	vadd.f32 v3, v5;
	v5 =	vadd.f32 v10, v7  }
0x48: {  	v0 =	vadd.f32 v0, v2;
	v2 =	vadd.f32 v11, v4  }
0x49: {  	v1 =	vadd.f32 v1, v3;
	v3 =	vadd.f32 v6, v5  }
0x4a: {  	v0 =	vadd.f32 v2, v0  }
0x4b: {  	v1 =	vadd.f32 v3, v1  }
0x4c: {  	s28 =	sshll.u32 s24, $0x6;
	v0 =	vmul.f32 $5.000000070e-02, v0  }
0x4d: {  	s28 =	sand.u32 $0x3FFFFFC0, s28;
	v1 =	vmul.f32 $5.000000070e-02, v1  }
0x4e: {  	s26 =	smin.u32 s26, $0x7D;
	[tilespmem:s28+$0x12C00] =	vst v0  }
0x4f: {  	s26 =	smul.u32 $0x640, s26;
	[tilespmem:s28+$0x12C10] =	vst v1  }
0x50: {  	_ =	swait.ge [sflag:s21], $0x3200  }
0x51: {  	s26 =	sshrl.u32 s26, $0x2;
	[sflag:s21] =	ssyncset.done $0x0  }
0x52: {  	s28 =	sadd.s32 $0x320, s26;
	[sflag:s21] =	ssyncadd.s32 $0xFFFFCE00  }
0x53: {  	[tilespmem:s9], [sflag:$0x1] =	stream.indirect.gather [hbm4b:s3+s8], $0x20, s28, s8, $0xb8;
	[tilespmem:$0x13C00] =	vst v63  }
0x54: {  	s28 =	sadd.s32 $0x3A0, s26  }
0x55: {  	[tilespmem:s10], [sflag:$0x1] =	stream.indirect.gather [hbm4b:s3+s8], $0x20, s28, s8, $0xb8;
	[tilespmem:$0x13C00] =	vst v63  }
0x56: {  	s28 =	sadd.s32 $0x420, s26  }
0x57: {  	[tilespmem:s12], [sflag:$0x1] =	stream.indirect.gather [hbm4b:s3+s8], $0x20, s28, s8, $0xb8;
	[tilespmem:$0x13C00] =	vst v63  }
0x58: {  	s26 =	sadd.s32 $0x4A0, s26  }
0x59: {  	[tilespmem:s15], [sflag:$0x1] =	stream.indirect.gather [hbm4b:s3+s13], $0x20, s26, s13, $0xb8;
	[tilespmem:$0x13C00] =	vst v63  }
0x5a: {  	s26 =	simm.s32 $0x0  }
0x5b: {  	v0 =	vld [tilespmem:s26+$0xFAC0]  }
0x5c: {  	v1 =	vld [tilespmem:s26+$0xFAD0]  }
0x5d: {  	v2 =	vld [tilespmem:s26+$0xFA80]  }
0x5e: {  	v3 =	vld [tilespmem:s26+$0xFA90]  }
0x5f: {  	v4 =	vld [tilespmem:s26+$0xFA40]  }
0x60: {  	v5 =	vld [tilespmem:s26+$0xFA50]  }
0x61: {  	v10 =	vld [tilespmem:s26+$0xFA00]  }
0x62: {  	v8 =	vimm.f32 $0.0e+00;
	v11 =	vld [tilespmem:s26+$0xFA10]  }
0x63: {  	v9 =	vimm.f32 $0.0e+00;
	v7 =	vimm.f32 $0.0e+00;
	v6 =	vimm.f32 $0.0e+00;
	s28 =	simm.s32 $0x400;
	v12 =	vld [tilespmem:s26+$0xFA20]  }
.LBB2_5:
0x64: {  	p0 =	sne.s32 s28, $0xC400;
	v13 =	vld [tilespmem:s26+$0xFA30]  }
0x65: {  	v14 =	vld [tilespmem:s26+$0xFA60]  }
0x66: {  	v15 =	vld [tilespmem:s26+$0xFA70]  }
0x67: {  	v16 =	vld [tilespmem:s26+$0xFAA0]  }
0x68: {  	v6 =	vadd.f32 v10, v6;
	v7 =	vadd.f32 v11, v7;
	v10 =	vld [tilespmem:s26+$0xFAB0]  }
0x69: {  	v9 =	vadd.f32 v12, v9;
	v8 =	vadd.f32 v13, v8;
	v11 =	vld [tilespmem:s26+$0xFAE0]  }
0x6a: {  	v4 =	vadd.f32 v4, v6;
	v5 =	vadd.f32 v5, v7;
	v12 =	vld [tilespmem:s26+$0xFAF0];
	s26 =	sshra.s32 s28, $0x2  }
0x6b: {  	v6 =	vadd.f32 v14, v9;
	v13 =	vld [tilespmem:s26+$0xFAC0];
	v7 =	vadd.f32 v15, v8  }
0x6c: {  	v4 =	vadd.f32 v2, v4;
	v5 =	vadd.f32 v3, v5;
	v14 =	vld [tilespmem:s26+$0xFAD0]  }
0x6d: {  	v8 =	vadd.f32 v16, v6;
	v2 =	vld [tilespmem:s26+$0xFA80];
	v10 =	vadd.f32 v10, v7  }
0x6e: {  	v6 =	vadd.f32 v0, v4;
	v7 =	vadd.f32 v1, v5;
	v3 =	vld [tilespmem:s26+$0xFA90]  }
.Ltmp1:
0x6f: {  	v9 =	vadd.f32 v11, v8;
	v4 =	vld [tilespmem:s26+$0xFA40];
	v8 =	vadd.f32 v12, v10;
	(pc) =	sbr.rel @p0 .LBB2_5-.Ltmp1, $4  }
0x70: {  	v5 =	vld [tilespmem:s26+$0xFA50];
	v0 =	vmov v13  }
0x71: {  	v10 =	vld [tilespmem:s26+$0xFA00];
	v1 =	vmov v14  }
0x72: {  	v11 =	vld [tilespmem:s26+$0xFA10]  }
0x73: {  	s28 =	sadd.s32 $0x400, s28;
	v12 =	vld [tilespmem:s26+$0xFA20]  }
0x74: {  	v13 =	vld [tilespmem:s26+$0xFA30]  }
0x75: {  	v14 =	vld [tilespmem:s26+$0xFA60]  }
0x76: {  	v15 =	vld [tilespmem:s26+$0xFA70]  }
0x77: {  	v16 =	vld [tilespmem:s26+$0xFAA0]  }
0x78: {  	v56 =	vld [tilespmem:s26+$0xFAB0];
	v6 =	vadd.f32 v10, v6;
	v9 =	vadd.f32 v12, v9  }
0x79: {  	v57 =	vld [tilespmem:s26+$0xFAE0];
	v7 =	vadd.f32 v11, v7;
	v8 =	vadd.f32 v13, v8  }
0x7a: {  	v58 =	vld [tilespmem:s26+$0xFAF0];
	v4 =	vadd.f32 v4, v6;
	v9 =	vadd.f32 v14, v9  }
0x7b: {  	v5 =	vadd.f32 v5, v7;
	v59 =	vadd.f32 v15, v8  }
0x7c: {  	v2 =	vadd.f32 v2, v4;
	v60 =	vadd.f32 v16, v9  }
0x7d: {  	v3 =	vadd.f32 v3, v5;
	v61 =	vadd.f32 v56, v59  }
0x7e: {  	v0 =	vadd.f32 v0, v2;
	v62 =	vadd.f32 v57, v60  }
0x7f: {  	s24 =	sadd.s32 $0x1, s24;
	v1 =	vadd.f32 v1, v3;
	v63 =	vadd.f32 v58, v61  }
0x80: {  	p0 =	sne.s32 s24, $0x40;
	v0 =	vadd.f32 v62, v0  }
.Ltmp2:
0x81: {  	v1 =	vadd.f32 v63, v1;
	(pc) =	sbr.rel @p0 .LBB2_2-.Ltmp2, $4  }
0x82: {  	s25 =	sshll.u32 s25, $0x5;
	v0 =	vmul.f32 $5.000000070e-02, v0  }
0x83: {  	s25 =	sand.u32 $0x3FFFFFE0, s25;
	v1 =	vmul.f32 $5.000000070e-02, v1  }
0x84: {  	[tilespmem:s25+$0x12C00] =	vst v0  }
0x85: {  	[tilespmem:s25+$0x12C10] =	vst v1  }
0x86: {  	_ =	swait.ge [sflag:s16], $0x3200;
	s23 =	sadd.s32 $0x1, s23  }
0x87: {  	[sflag:s16] =	ssyncset.done $0x0;
	p0 =	sne.s32 s23, s6  }
.Ltmp3:
0x88: {  	[sflag:s16] =	ssyncadd.s32 $0xFFFFCE00;
	(pc) =	sbr.rel @p0 .LBB2_1-.Ltmp3, $4  }
0x89: {  	[hbm4b:s5+s2] =	stream.linear.scatter [tilespmem:s22], [sflag:$0x3], $0x1000, $0x38;
	[tilespmem:$0x13C00] =	vst v63  }
0x8a: {  	_ =	swait.ge [sflag:s7], $0x1000  }
0x8b: {  	[sflag:s7] =	ssyncset.done $0x0  }
0x8c: {  	[sflag:s7] =	ssyncadd.s32 $0xFFFFF000  }
0x8d: {  	_ =	sfence.sel $0x180000  }
0x8e: {  	[bflag:$0x0] =	sbarrier.arrive $0xFFFF  }
0x8f: {  	p0 =	sne.s32 s0, $0x0;
	_ =	strace $0x90000047  }
0x90: {  	s0 =	sadd.s32 @!p0 $0x100000, s1;
	[bflag:$0x2] =	sbarrier.arrive $0xFFFF  }
0x91: {  	[sflag:s0] =	ssyncadd.tile.s32 @!p0 $0x1;
	_ =	shalt  }
.Lfunc_end2:
_tile_overlayer_lowered:
.L_overlay_start_2:
0x92: {  	(tag) =	ssettag $0x2  }
0x93: {  	s0 =	rddreg [dreg:$0x0];
	s2 =	stileid.u32  }
0x94: {  	s1 =	rddreg [dreg:$0x1];
	p0 =	sne.s32 s2, $0x0  }
0x95: {  	s3 =	rddreg [dreg:$0x2];
	[bflag:$0x3] =	sbarrier.arrive $0xFFFF;
	s2 =	simm.s32 @!p0 $0x1C03  }
0x96: {  	[timem:s3], [sflag:s2] =	dma.local @!p0 [hbm:s0], s1  }
0x97: {  	s0 =	simm.s32 @!p0 $0x3  }
0x98: {  	_ =	swait.ge @!p0 [sflag:s0], s1  }
0x99: {  	s1 =	ssub.s32 @!p0 $0x0, s1;
	[sflag:s0] =	ssyncset.done @!p0 $0x0  }
0x9a: {  	[sflag:s0] =	ssyncadd.s32 @!p0 s1  }
0x9b: {  	[bflag:$0x3] =	sbarrier.arrive $0xFFFF  }
0x9c: {  	_ =	shalt  }

</sc_bundles>
